<compile_context>
chip_gen: v7x
topology: tpu7x:2x2x1
jax: 0.10.2.dev20260603
libtpu: 0.0.44.dev20260713+nightly
codegen_flags: <defaults>
</compile_context>

<pallas_src>
import functools

import jax
import jax.numpy as jnp
from jax import lax
from jax.experimental import pallas as pl
from jax.experimental.pallas import tpu as pltpu
from jax.experimental.pallas import tpu_sc as plsc

N = 100000
NPAD = 100352
E = 6400000
NC = 2
NS = 16
NW = NC * NS
EPT = E // NW
CHUNK = 4000
NCHUNK = EPT // CHUNK
SL = NPAD // NS

_mesh = plsc.VectorSubcoreMesh(core_axis_name="c", subcore_axis_name="s")
_f32 = jnp.float32


def _fill(ref, n, value):
    def body(i, carry):
        ref[pl.ds(i * 16, 16)] = jnp.full((16,), value, _f32)
        return carry
    lax.fori_loop(0, n // 16, body, 0)


@functools.partial(
    pl.kernel,
    out_type=(
        jax.ShapeDtypeStruct((NC, NPAD), _f32),
        jax.ShapeDtypeStruct((NC, NPAD), _f32),
    ),
    mesh=_mesh,
    scratch_types=[
        pltpu.VMEM_SHARED((NPAD,), _f32),
        pltpu.VMEM_SHARED((NPAD,), _f32),
        pltpu.VMEM((CHUNK,), jnp.int32),
        pltpu.VMEM((CHUNK,), jnp.int32),
        pltpu.VMEM((CHUNK,), jnp.int32),
        pltpu.VMEM((CHUNK,), jnp.int32),
        pltpu.VMEM((CHUNK,), _f32),
        pltpu.VMEM((SL,), _f32),
        pltpu.SemaphoreType.DMA,
        pltpu.SemaphoreType.DMA,
    ],
)
def _sc_degrees(src_h, dst_h, degs, degd, ds_s, dd_s, srcA, dstA, srcB, dstB, ones_v,
                zb, sem_i, sem_s):
    c = lax.axis_index("c")
    s = lax.axis_index("s")
    off = s * SL
    _fill(zb, SL, 0.0)
    _fill(ones_v, CHUNK, 1.0)
    pltpu.sync_copy(zb, ds_s.at[pl.ds(off, SL)])
    pltpu.sync_copy(zb, dd_s.at[pl.ds(off, SL)])
    plsc.subcore_barrier()

    base = (c * NS + s) * EPT
    bufs = ((srcA, dstA), (srcB, dstB))
    pltpu.async_copy(src_h.at[pl.ds(base, CHUNK)], srcA, sem_i)
    pltpu.async_copy(dst_h.at[pl.ds(base, CHUNK)], dstA, sem_i)

    def chunk(k, cur, other):
        srcb, dstb = cur
        o = base + k * CHUNK
        pltpu.make_async_copy(src_h.at[pl.ds(o, CHUNK)], srcb, sem_i).wait()
        pltpu.make_async_copy(dst_h.at[pl.ds(o, CHUNK)], dstb, sem_i).wait()

        @pl.when(k >= 1)
        def _():
            pltpu.make_async_copy(ones_v, ds_s.at[other[0]], sem_s).wait()
            pltpu.make_async_copy(ones_v, dd_s.at[other[1]], sem_s).wait()

        @pl.when(k < NCHUNK - 1)
        def _():
            o2 = base + (k + 1) * CHUNK
            pltpu.async_copy(src_h.at[pl.ds(o2, CHUNK)], other[0], sem_i)
            pltpu.async_copy(dst_h.at[pl.ds(o2, CHUNK)], other[1], sem_i)

        pltpu.async_copy(ones_v, ds_s.at[srcb], sem_s, add=True)
        pltpu.async_copy(ones_v, dd_s.at[dstb], sem_s, add=True)

    def body(i, carry):
        chunk(2 * i, bufs[0], bufs[1])
        chunk(2 * i + 1, bufs[1], bufs[0])
        return carry
    lax.fori_loop(0, NCHUNK // 2, body, 0)
    pltpu.make_async_copy(ones_v, ds_s.at[srcB], sem_s).wait()
    pltpu.make_async_copy(ones_v, dd_s.at[dstB], sem_s).wait()

    plsc.subcore_barrier()
    pltpu.sync_copy(ds_s.at[pl.ds(off, SL)], degs.at[c, pl.ds(off, SL)])
    pltpu.sync_copy(dd_s.at[pl.ds(off, SL)], degd.at[c, pl.ds(off, SL)])


@functools.partial(
    pl.kernel,
    out_type=jax.ShapeDtypeStruct((NC, 2, NPAD), _f32),
    mesh=_mesh,
    scratch_types=[
        pltpu.VMEM_SHARED((NPAD,), _f32),
        pltpu.VMEM_SHARED((NPAD,), _f32),
        pltpu.VMEM_SHARED((NPAD,), _f32),
        pltpu.VMEM_SHARED((NPAD,), _f32),
        pltpu.VMEM((CHUNK,), jnp.int32),
        pltpu.VMEM((CHUNK,), jnp.int32),
        pltpu.VMEM((CHUNK,), jnp.int32),
        pltpu.VMEM((CHUNK,), jnp.int32),
        pltpu.VMEM((CHUNK,), _f32),
        pltpu.VMEM((CHUNK,), _f32),
        pltpu.VMEM((CHUNK,), _f32),
        pltpu.VMEM((CHUNK,), _f32),
        pltpu.VMEM((SL,), _f32),
        pltpu.SemaphoreType.DMA,
        pltpu.SemaphoreType.DMA,
        pltpu.SemaphoreType.DMA,
    ],
)
def _sc_pass(src_h, dst_h, tbl, out, t0_s, t1_s, a0_s, a1_s, srcA, dstA, srcB, dstB,
             v0A, v1A, v0B, v1B, zb, sem_i, sem_g, sem_s):
    c = lax.axis_index("c")
    s = lax.axis_index("s")
    off = s * SL
    _fill(zb, SL, 0.0)
    pltpu.sync_copy(tbl.at[0, pl.ds(off, SL)], t0_s.at[pl.ds(off, SL)])
    pltpu.sync_copy(tbl.at[1, pl.ds(off, SL)], t1_s.at[pl.ds(off, SL)])
    pltpu.sync_copy(zb, a0_s.at[pl.ds(off, SL)])
    pltpu.sync_copy(zb, a1_s.at[pl.ds(off, SL)])
    plsc.subcore_barrier()

    base = (c * NS + s) * EPT
    bufs = ((srcA, dstA, v0A, v1A), (srcB, dstB, v0B, v1B))
    pltpu.async_copy(src_h.at[pl.ds(base, CHUNK)], srcA, sem_i)
    pltpu.async_copy(dst_h.at[pl.ds(base, CHUNK)], dstA, sem_i)

    def chunk(k, cur, other):
        srcb, dstb, v0, v1 = cur
        o = base + k * CHUNK
        pltpu.make_async_copy(src_h.at[pl.ds(o, CHUNK)], srcb, sem_i).wait()
        pltpu.make_async_copy(dst_h.at[pl.ds(o, CHUNK)], dstb, sem_i).wait()

        g0 = pltpu.async_copy(t0_s.at[srcb], v0, sem_g)
        g1 = pltpu.async_copy(t1_s.at[srcb], v1, sem_g)

        @pl.when(k >= 1)
        def _():
            pltpu.make_async_copy(other[2], a0_s.at[other[1]], sem_s).wait()
            pltpu.make_async_copy(other[3], a1_s.at[other[1]], sem_s).wait()

        @pl.when(k < NCHUNK - 1)
        def _():
            o2 = base + (k + 1) * CHUNK
            pltpu.async_copy(src_h.at[pl.ds(o2, CHUNK)], other[0], sem_i)
            pltpu.async_copy(dst_h.at[pl.ds(o2, CHUNK)], other[1], sem_i)

        g0.wait()
        g1.wait()
        pltpu.async_copy(v0, a0_s.at[dstb], sem_s, add=True)
        pltpu.async_copy(v1, a1_s.at[dstb], sem_s, add=True)

    def body(i, carry):
        chunk(2 * i, bufs[0], bufs[1])
        chunk(2 * i + 1, bufs[1], bufs[0])
        return carry
    lax.fori_loop(0, NCHUNK // 2, body, 0)
    pltpu.make_async_copy(v0B, a0_s.at[dstB], sem_s).wait()
    pltpu.make_async_copy(v1B, a1_s.at[dstB], sem_s).wait()

    plsc.subcore_barrier()
    pltpu.sync_copy(a0_s.at[pl.ds(off, SL)], out.at[c, 0, pl.ds(off, SL)])
    pltpu.sync_copy(a1_s.at[pl.ds(off, SL)], out.at[c, 1, pl.ds(off, SL)])


def _tc_prep_body(degs_ref, degd_ref, feat_ref, t2_ref, ns_ref, nd_ref):
    ds = degs_ref[0:1, :] + degs_ref[1:2, :]
    dd = degd_ref[0:1, :] + degd_ref[1:2, :]
    ns = lax.rsqrt(jnp.maximum(ds, 1.0))
    nd = lax.rsqrt(jnp.maximum(dd, 1.0))
    ns_ref[...] = ns
    nd_ref[...] = nd
    t2_ref[...] = feat_ref[...] * ns


def _tc_dense_body(acc_ref, ns_ref, nd_ref, w2t_ref, b2_ref, w3t_ref, y3_ref):
    a = (acc_ref[0] + acc_ref[1]) * nd_ref[...]
    x2 = jnp.dot(w2t_ref[...], a, preferred_element_type=_f32) + b2_ref[...]
    x2 = jnp.maximum(x2, 0.0)
    y3 = jnp.dot(w3t_ref[...], x2, preferred_element_type=_f32)
    y3_ref[...] = y3 * ns_ref[...]


def _tc_final_body(acc_ref, nd_ref, b3_ref, out_ref):
    out_ref[...] = (acc_ref[0] + acc_ref[1]) * nd_ref[...] + b3_ref[...]


def kernel(features, edge_index, theta_w, theta_b, phi_w, phi_b, w2, b2, w3, b3):
    featT = jnp.pad(features.T, ((0, 0), (0, NPAD - N)))

    src_e = edge_index[0]
    dst_e = edge_index[1]
    degs, degd = _sc_degrees(src_e, dst_e)

    t2, ns, nd = pl.pallas_call(
        _tc_prep_body,
        out_shape=(
            jax.ShapeDtypeStruct((2, NPAD), _f32),
            jax.ShapeDtypeStruct((1, NPAD), _f32),
            jax.ShapeDtypeStruct((1, NPAD), _f32),
        ),
    )(degs, degd, featT)

    acc2 = _sc_pass(src_e, dst_e, t2)

    y3 = pl.pallas_call(
        _tc_dense_body,
        out_shape=jax.ShapeDtypeStruct((2, NPAD), _f32),
    )(acc2, ns, nd, w2.T, b2.reshape(8, 1), w3.T)

    acc3 = _sc_pass(src_e, dst_e, y3)

    outT = pl.pallas_call(
        _tc_final_body,
        out_shape=jax.ShapeDtypeStruct((2, NPAD), _f32),
    )(acc3, nd, b3.reshape(2, 1))

    return outT[:, :N].T

# --- scband reference (transcript-rebuilt; emitter-appended) ---
"""Pipeline reference for scband-net-55499567399493 (READ-ONLY COPY).

The authoritative reference and input builder live on the scoring server;
editing this copy changes nothing except your own understanding.
"""

import jax, jax.numpy as jnp
import numpy as np

N = 100000
E = 6400000

def setup_inputs(seed: int = 0) -> dict:
    key = jax.random.key(seed)
    ks = jax.random.split(key, 12)
    x = jax.random.normal(ks[0], (N, 2), dtype=jnp.float32)
    edge_index = jax.random.randint(ks[1], (2, E), 0, N, dtype=jnp.int32)
    # EdgeConv(2, 16): theta and phi Linear layers
    theta_w = jax.random.normal(ks[2], (2, 16), dtype=jnp.float32) * 0.1
    theta_b = jnp.zeros((16,), dtype=jnp.float32)
    phi_w = jax.random.normal(ks[3], (2, 16), dtype=jnp.float32) * 0.1
    phi_b = jnp.zeros((16,), dtype=jnp.float32)
    # GraphConv layer2: declared (16,8) but forward feeds raw features (dim 2),
    # so runnable weight must be (2, 8) to match the actual dataflow.
    w2 = jax.random.normal(ks[4], (2, 8), dtype=jnp.float32) * 0.1
    b2 = jnp.zeros((8,), dtype=jnp.float32)
    # GraphConv layer4: (8, 2)
    w3 = jax.random.normal(ks[5], (8, 2), dtype=jnp.float32) * 0.1
    b3 = jnp.zeros((2,), dtype=jnp.float32)
    return {"features": x, "edge_index": edge_index,
            "theta_w": theta_w, "theta_b": theta_b,
            "phi_w": phi_w, "phi_b": phi_b,
            "w2": w2, "b2": b2, "w3": w3, "b3": b3}

def _edge_conv(x, src, dst, tw, tb, pw, pb):
    # DGL EdgeConv: h_i = max_{j in N(i)} [ theta(x_j - x_i) + phi(x_i) ]
    msg = (x[src] - x[dst]) @ tw + tb + x[dst] @ pw + pb
    h = jax.ops.segment_max(msg, dst, num_segments=N)
    h = jnp.where(jnp.isfinite(h), h, 0.0)
    return h

def _graph_conv(x, src, dst, w, b):
    # DGL GraphConv with norm='both': D^{-1/2} A D^{-1/2} X W + b
    ones = jnp.ones((src.shape[0],), dtype=jnp.float32)
    deg_out = jax.ops.segment_sum(ones, src, num_segments=N)
    deg_in = jax.ops.segment_sum(ones, dst, num_segments=N)
    norm_src = jax.lax.rsqrt(jnp.clip(deg_out, 1.0, None))
    norm_dst = jax.lax.rsqrt(jnp.clip(deg_in, 1.0, None))
    xn = x * norm_src[:, None]
    agg = jax.ops.segment_sum(xn[src], dst, num_segments=N)
    agg = agg * norm_dst[:, None]
    return agg @ w + b

def reference(features, edge_index, theta_w, theta_b, phi_w, phi_b, w2, b2, w3, b3):
    src = edge_index[0]
    dst = edge_index[1]
    # layer1: computed then overwritten, exactly as in the original forward
    x1 = jax.nn.relu(_edge_conv(features, src, dst, theta_w, theta_b, phi_w, phi_b))
    x2 = jax.nn.relu(_graph_conv(features, src, dst, w2, b2))
    out = _graph_conv(x2, src, dst, w3, b3)
    return out

if __name__ == "__main__":
    import jax
    _d = setup_inputs()
    print(jax.jit(kernel)(*tuple(_d.values())))

</pallas_src>

<mosaic_0001>
#map = affine_map<(d0, d1) -> (0)>
#map1 = affine_map<(d0, d1) -> (0, 0)>
#map2 = affine_map<(d0, d1) -> (0, 0, 0)>
module attributes {stable_mosaic.version = 14 : i64} {
  func.func @_sc_pass(%arg0: i32, %arg1: i32, %arg2: memref<6400000xi32, #tpu.memory_space<hbm>>, %arg3: memref<6400000xi32, #tpu.memory_space<hbm>>, %arg4: memref<2x100352xf32, #tpu.memory_space<hbm>>, %arg5: memref<2x2x100352xf32, #tpu.memory_space<hbm>>, %arg6: memref<100352xf32, #tpu.memory_space<vmem_shared>>, %arg7: memref<100352xf32, #tpu.memory_space<vmem_shared>>, %arg8: memref<100352xf32, #tpu.memory_space<vmem_shared>>, %arg9: memref<100352xf32, #tpu.memory_space<vmem_shared>>, %arg10: memref<4000xi32, #tpu.memory_space<vmem>>, %arg11: memref<4000xi32, #tpu.memory_space<vmem>>, %arg12: memref<4000xi32, #tpu.memory_space<vmem>>, %arg13: memref<4000xi32, #tpu.memory_space<vmem>>, %arg14: memref<4000xf32, #tpu.memory_space<vmem>>, %arg15: memref<4000xf32, #tpu.memory_space<vmem>>, %arg16: memref<4000xf32, #tpu.memory_space<vmem>>, %arg17: memref<4000xf32, #tpu.memory_space<vmem>>, %arg18: memref<6272xf32, #tpu.memory_space<vmem>>, %arg19: memref<!tpu.dma_semaphore, #tpu.memory_space<semaphore_mem>>, %arg20: memref<!tpu.dma_semaphore, #tpu.memory_space<semaphore_mem>>, %arg21: memref<!tpu.dma_semaphore, #tpu.memory_space<semaphore_mem>>) attributes {dimension_semantics = [#tpu.dimension_semantics<core_parallel>, #tpu.dimension_semantics<subcore_parallel>], iteration_bounds = array<i64: 2, 16>, scalar_prefetch = 0 : i64, scratch_operands = 16 : i64, tpu.core_type = #tpu.core_type<sc_vector_subcore>, window_params = [{transform_indices = #map}, {transform_indices = #map}, {transform_indices = #map1}, {transform_indices = #map2}]} {
    %mul3A = arith.constant 6272 : i32
    %mul3A_0 = arith.muli %arg1, %mul3A : i32
    %scan3A = arith.constant 0 : i32
    %scan3A_1 = arith.constant 0 : i32
    %scan3A_2 = arith.constant 392 : i32
    %scan3A_3 = arith.addi %scan3A_1, %scan3A_2 : i32
    %scan3A_4 = arith.constant 1 : i32
    scf.for %scan3A_26 = %scan3A_1 to %scan3A_3 step %scan3A_4  : i32 {
      %broadcast_in_dim3A = arith.constant 0.000000e+00 : f32
      %broadcast_in_dim3A_27 = vector.broadcast %broadcast_in_dim3A : f32 to vector<16xf32>
      %mul3A_28 = arith.constant 16 : i32
      %mul3A_29 = arith.muli %scan3A_26, %mul3A_28 : i32
      %swap3A = arith.index_cast %mul3A_29 : i32 to index
      %swap3A_30 = tpu.vector_load %arg18[%swap3A] {strides = array<i32>} : memref<6272xf32, #tpu.memory_space<vmem>>, vector<16xf32>,
      %swap3A_31 = vector.shape_cast %swap3A_30 : vector<16xf32> to vector<16xf32>
      %swap3A_32 = vector.shape_cast %broadcast_in_dim3A_27 : vector<16xf32> to vector<16xf32>
      tpu.vector_store %arg18[%swap3A], %swap3A_32 {strides = array<i32>} : memref<6272xf32, #tpu.memory_space<vmem>>, vector<16xf32>,
    }
    %scan3A_5 = arith.constant 392 : i32
    %run_scoped3A = arith.constant 0 : i32
    "tpu.region"() ({
      %run_scoped3A_26 = tpu.sem_alloc : memref<!tpu.dma_semaphore, #tpu.memory_space<semaphore_mem>>
      %dma_start3A_27 = tpu.memref_slice %arg6[%mul3A_0] : memref<100352xf32, #tpu.memory_space<vmem_shared>> -> memref<6272xf32, #tpu.memory_space<vmem_shared>>
      %dma_start3A_28 = tpu.memref_slice %arg4[%run_scoped3A, %mul3A_0] : memref<2x100352xf32, #tpu.memory_space<hbm>> -> memref<1x6272xf32, #tpu.memory_space<hbm>>
      %dma_start3A_29 = tpu.memref_squeeze %dma_start3A_28 : memref<1x6272xf32, #tpu.memory_space<hbm>> -> memref<6272xf32, #tpu.memory_space<hbm>>
      tpu.enqueue_dma source(%dma_start3A_29 : memref<6272xf32, #tpu.memory_space<hbm>>) target(%dma_start3A_27 : memref<6272xf32, #tpu.memory_space<vmem_shared>>) target_semaphore(%run_scoped3A_26 : memref<!tpu.dma_semaphore, #tpu.memory_space<semaphore_mem>>)
      %dma_wait3A_30 = tpu.memref_slice %arg6[%mul3A_0] : memref<100352xf32, #tpu.memory_space<vmem_shared>> -> memref<6272xf32, #tpu.memory_space<vmem_shared>>
      %dma_wait3A_31 = tpu.memref_slice %arg4[%run_scoped3A, %mul3A_0] : memref<2x100352xf32, #tpu.memory_space<hbm>> -> memref<1x6272xf32, #tpu.memory_space<hbm>>
      %dma_wait3A_32 = tpu.memref_squeeze %dma_wait3A_31 : memref<1x6272xf32, #tpu.memory_space<hbm>> -> memref<6272xf32, #tpu.memory_space<hbm>>
      tpu.wait_dma2 semaphore(%run_scoped3A_26 : memref<!tpu.dma_semaphore, #tpu.memory_space<semaphore_mem>>) src(%dma_wait3A_32 : memref<6272xf32, #tpu.memory_space<hbm>>) dst(%dma_wait3A_30 : memref<6272xf32, #tpu.memory_space<vmem_shared>>)
      tpu.yield
    }) : () -> ()
    %run_scoped3A_6 = arith.constant 1 : i32
    "tpu.region"() ({
      %run_scoped3A_26 = tpu.sem_alloc : memref<!tpu.dma_semaphore, #tpu.memory_space<semaphore_mem>>
      %dma_start3A_27 = tpu.memref_slice %arg7[%mul3A_0] : memref<100352xf32, #tpu.memory_space<vmem_shared>> -> memref<6272xf32, #tpu.memory_space<vmem_shared>>
      %dma_start3A_28 = tpu.memref_slice %arg4[%run_scoped3A_6, %mul3A_0] : memref<2x100352xf32, #tpu.memory_space<hbm>> -> memref<1x6272xf32, #tpu.memory_space<hbm>>
      %dma_start3A_29 = tpu.memref_squeeze %dma_start3A_28 : memref<1x6272xf32, #tpu.memory_space<hbm>> -> memref<6272xf32, #tpu.memory_space<hbm>>
      tpu.enqueue_dma source(%dma_start3A_29 : memref<6272xf32, #tpu.memory_space<hbm>>) target(%dma_start3A_27 : memref<6272xf32, #tpu.memory_space<vmem_shared>>) target_semaphore(%run_scoped3A_26 : memref<!tpu.dma_semaphore, #tpu.memory_space<semaphore_mem>>)
      %dma_wait3A_30 = tpu.memref_slice %arg7[%mul3A_0] : memref<100352xf32, #tpu.memory_space<vmem_shared>> -> memref<6272xf32, #tpu.memory_space<vmem_shared>>
      %dma_wait3A_31 = tpu.memref_slice %arg4[%run_scoped3A_6, %mul3A_0] : memref<2x100352xf32, #tpu.memory_space<hbm>> -> memref<1x6272xf32, #tpu.memory_space<hbm>>
      %dma_wait3A_32 = tpu.memref_squeeze %dma_wait3A_31 : memref<1x6272xf32, #tpu.memory_space<hbm>> -> memref<6272xf32, #tpu.memory_space<hbm>>
      tpu.wait_dma2 semaphore(%run_scoped3A_26 : memref<!tpu.dma_semaphore, #tpu.memory_space<semaphore_mem>>) src(%dma_wait3A_32 : memref<6272xf32, #tpu.memory_space<hbm>>) dst(%dma_wait3A_30 : memref<6272xf32, #tpu.memory_space<vmem_shared>>)
      tpu.yield
    }) : () -> ()
    "tpu.region"() ({
      %run_scoped3A_26 = tpu.sem_alloc : memref<!tpu.dma_semaphore, #tpu.memory_space<semaphore_mem>>
      %dma_start3A_27 = tpu.memref_slice %arg8[%mul3A_0] : memref<100352xf32, #tpu.memory_space<vmem_shared>> -> memref<6272xf32, #tpu.memory_space<vmem_shared>>
      %dma_start3A_28 = tpu.memref_slice %arg8[%mul3A_0] : memref<100352xf32, #tpu.memory_space<vmem_shared>> -> memref<6272xf32, #tpu.memory_space<vmem_shared>>
      tpu.enqueue_dma source(%arg18 : memref<6272xf32, #tpu.memory_space<vmem>>) target(%dma_start3A_28 : memref<6272xf32, #tpu.memory_space<vmem_shared>>) target_semaphore(%run_scoped3A_26 : memref<!tpu.dma_semaphore, #tpu.memory_space<semaphore_mem>>)
      %dma_wait3A_29 = tpu.memref_slice %arg8[%mul3A_0] : memref<100352xf32, #tpu.memory_space<vmem_shared>> -> memref<6272xf32, #tpu.memory_space<vmem_shared>>
      %dma_wait3A_30 = tpu.memref_slice %arg8[%mul3A_0] : memref<100352xf32, #tpu.memory_space<vmem_shared>> -> memref<6272xf32, #tpu.memory_space<vmem_shared>>
      tpu.wait_dma2 semaphore(%run_scoped3A_26 : memref<!tpu.dma_semaphore, #tpu.memory_space<semaphore_mem>>) src(%arg18 : memref<6272xf32, #tpu.memory_space<vmem>>) dst(%dma_wait3A_30 : memref<6272xf32, #tpu.memory_space<vmem_shared>>)
      tpu.yield
    }) : () -> ()
    "tpu.region"() ({
      %run_scoped3A_26 = tpu.sem_alloc : memref<!tpu.dma_semaphore, #tpu.memory_space<semaphore_mem>>
      %dma_start3A_27 = tpu.memref_slice %arg9[%mul3A_0] : memref<100352xf32, #tpu.memory_space<vmem_shared>> -> memref<6272xf32, #tpu.memory_space<vmem_shared>>
      %dma_start3A_28 = tpu.memref_slice %arg9[%mul3A_0] : memref<100352xf32, #tpu.memory_space<vmem_shared>> -> memref<6272xf32, #tpu.memory_space<vmem_shared>>
      tpu.enqueue_dma source(%arg18 : memref<6272xf32, #tpu.memory_space<vmem>>) target(%dma_start3A_28 : memref<6272xf32, #tpu.memory_space<vmem_shared>>) target_semaphore(%run_scoped3A_26 : memref<!tpu.dma_semaphore, #tpu.memory_space<semaphore_mem>>)
      %dma_wait3A_29 = tpu.memref_slice %arg9[%mul3A_0] : memref<100352xf32, #tpu.memory_space<vmem_shared>> -> memref<6272xf32, #tpu.memory_space<vmem_shared>>
      %dma_wait3A_30 = tpu.memref_slice %arg9[%mul3A_0] : memref<100352xf32, #tpu.memory_space<vmem_shared>> -> memref<6272xf32, #tpu.memory_space<vmem_shared>>
      tpu.wait_dma2 semaphore(%run_scoped3A_26 : memref<!tpu.dma_semaphore, #tpu.memory_space<semaphore_mem>>) src(%arg18 : memref<6272xf32, #tpu.memory_space<vmem>>) dst(%dma_wait3A_30 : memref<6272xf32, #tpu.memory_space<vmem_shared>>)
      tpu.yield
    }) : () -> ()
    %barrier3A = arith.constant 0 : index
    tpu.barrier barrier_id(%barrier3A)
    %mul3A_7 = arith.constant 16 : i32
    %mul3A_8 = arith.muli %arg0, %mul3A_7 : i32
    %add3A = arith.addi %mul3A_8, %arg1 : i32
    %mul3A_9 = arith.constant 200000 : i32
    %mul3A_10 = arith.muli %add3A, %mul3A_9 : i32
    %dma_start3A = tpu.memref_slice %arg2[%mul3A_10] : memref<6400000xi32, #tpu.memory_space<hbm>> -> memref<4000xi32, #tpu.memory_space<hbm>>
    %dma_start3A_11 = tpu.memref_slice %arg2[%mul3A_10] : memref<6400000xi32, #tpu.memory_space<hbm>> -> memref<4000xi32, #tpu.memory_space<hbm>>
    tpu.enqueue_dma source(%dma_start3A_11 : memref<4000xi32, #tpu.memory_space<hbm>>) target(%arg10 : memref<4000xi32, #tpu.memory_space<vmem>>) target_semaphore(%arg19 : memref<!tpu.dma_semaphore, #tpu.memory_space<semaphore_mem>>)
    %dma_start3A_12 = tpu.memref_slice %arg3[%mul3A_10] : memref<6400000xi32, #tpu.memory_space<hbm>> -> memref<4000xi32, #tpu.memory_space<hbm>>
    %dma_start3A_13 = tpu.memref_slice %arg3[%mul3A_10] : memref<6400000xi32, #tpu.memory_space<hbm>> -> memref<4000xi32, #tpu.memory_space<hbm>>
    tpu.enqueue_dma source(%dma_start3A_13 : memref<4000xi32, #tpu.memory_space<hbm>>) target(%arg11 : memref<4000xi32, #tpu.memory_space<vmem>>) target_semaphore(%arg19 : memref<!tpu.dma_semaphore, #tpu.memory_space<semaphore_mem>>)
    %scan3A_14 = arith.constant 0 : i32
    %scan3A_15 = arith.constant 0 : i32
    %scan3A_16 = arith.constant 25 : i32
    %scan3A_17 = arith.addi %scan3A_15, %scan3A_16 : i32
    %scan3A_18 = arith.constant 1 : i32
    scf.for %scan3A_26 = %scan3A_15 to %scan3A_17 step %scan3A_18  : i32 {
      %mul3A_27 = arith.constant 2 : i32
      %mul3A_28 = arith.muli %mul3A_27, %scan3A_26 : i32
      %mul3A_29 = arith.constant 4000 : i32
      %mul3A_30 = arith.muli %mul3A_28, %mul3A_29 : i32
      %add3A_31 = arith.addi %mul3A_10, %mul3A_30 : i32
      %dma_wait3A_32 = tpu.memref_slice %arg2[%add3A_31] : memref<6400000xi32, #tpu.memory_space<hbm>> -> memref<4000xi32, #tpu.memory_space<hbm>>
      %dma_wait3A_33 = tpu.memref_slice %arg2[%add3A_31] : memref<6400000xi32, #tpu.memory_space<hbm>> -> memref<4000xi32, #tpu.memory_space<hbm>>
      tpu.wait_dma2 semaphore(%arg19 : memref<!tpu.dma_semaphore, #tpu.memory_space<semaphore_mem>>) src(%dma_wait3A_33 : memref<4000xi32, #tpu.memory_space<hbm>>) dst(%arg10 : memref<4000xi32, #tpu.memory_space<vmem>>)
      %dma_wait3A_34 = tpu.memref_slice %arg3[%add3A_31] : memref<6400000xi32, #tpu.memory_space<hbm>> -> memref<4000xi32, #tpu.memory_space<hbm>>
      %dma_wait3A_35 = tpu.memref_slice %arg3[%add3A_31] : memref<6400000xi32, #tpu.memory_space<hbm>> -> memref<4000xi32, #tpu.memory_space<hbm>>
      tpu.wait_dma2 semaphore(%arg19 : memref<!tpu.dma_semaphore, #tpu.memory_space<semaphore_mem>>) src(%dma_wait3A_35 : memref<4000xi32, #tpu.memory_space<hbm>>) dst(%arg11 : memref<4000xi32, #tpu.memory_space<vmem>>)
      %dma_start3A_36 = arith.constant 0 : i32
      %dma_start3A_37 = tpu.memref_slice %arg6[%dma_start3A_36] : memref<100352xf32, #tpu.memory_space<vmem_shared>> -> memref<100352xf32, #tpu.memory_space<vmem_shared>>
      tpu.enqueue_indirect_dma source(%dma_start3A_37 : memref<100352xf32, #tpu.memory_space<vmem_shared>>) target(%arg14 : memref<4000xf32, #tpu.memory_space<vmem>>) offsets(%arg10 : memref<4000xi32, #tpu.memory_space<vmem>>) semaphore(%arg20 : memref<!tpu.dma_semaphore, #tpu.memory_space<semaphore_mem>>)
      %dma_start3A_38 = arith.constant 0 : i32
      %dma_start3A_39 = tpu.memref_slice %arg7[%dma_start3A_38] : memref<100352xf32, #tpu.memory_space<vmem_shared>> -> memref<100352xf32, #tpu.memory_space<vmem_shared>>
      tpu.enqueue_indirect_dma source(%dma_start3A_39 : memref<100352xf32, #tpu.memory_space<vmem_shared>>) target(%arg15 : memref<4000xf32, #tpu.memory_space<vmem>>) offsets(%arg10 : memref<4000xi32, #tpu.memory_space<vmem>>) semaphore(%arg20 : memref<!tpu.dma_semaphore, #tpu.memory_space<semaphore_mem>>)
      %ge3A = arith.constant 1 : i32
      %ge3A_40 = arith.cmpi sge, %mul3A_28, %ge3A : i32
      %convert_element_type3A = arith.extui %ge3A_40 : i1 to i32
      %cond3A = arith.constant 0 : i32
      %cond3A_41 = arith.cmpi ne, %convert_element_type3A, %cond3A : i32
      scf.if %cond3A_41 {
        %dma_wait3A_87 = arith.constant 0 : i32
        %dma_wait3A_88 = tpu.memref_slice %arg8[%dma_wait3A_87] : memref<100352xf32, #tpu.memory_space<vmem_shared>> -> memref<100352xf32, #tpu.memory_space<vmem_shared>>
        tpu.wait_indirect_dma semaphore(%arg21 : memref<!tpu.dma_semaphore, #tpu.memory_space<semaphore_mem>>) src(%arg16 : memref<4000xf32, #tpu.memory_space<vmem>>) dst(%dma_wait3A_88 : memref<100352xf32, #tpu.memory_space<vmem_shared>>)
        %dma_wait3A_89 = arith.constant 0 : i32
        %dma_wait3A_90 = tpu.memref_slice %arg9[%dma_wait3A_89] : memref<100352xf32, #tpu.memory_space<vmem_shared>> -> memref<100352xf32, #tpu.memory_space<vmem_shared>>
        tpu.wait_indirect_dma semaphore(%arg21 : memref<!tpu.dma_semaphore, #tpu.memory_space<semaphore_mem>>) src(%arg17 : memref<4000xf32, #tpu.memory_space<vmem>>) dst(%dma_wait3A_90 : memref<100352xf32, #tpu.memory_space<vmem_shared>>)
      } else {
      }
      %lt3A = arith.constant 49 : i32
      %lt3A_42 = arith.cmpi slt, %mul3A_28, %lt3A : i32
      %convert_element_type3A_43 = arith.extui %lt3A_42 : i1 to i32
      %cond3A_44 = arith.constant 0 : i32
      %cond3A_45 = arith.cmpi ne, %convert_element_type3A_43, %cond3A_44 : i32
      scf.if %cond3A_45 {
        %add3A_87 = arith.constant 1 : i32
        %add3A_88 = arith.addi %mul3A_28, %add3A_87 : i32
        %mul3A_89 = arith.constant 4000 : i32
        %mul3A_90 = arith.muli %add3A_88, %mul3A_89 : i32
        %add3A_91 = arith.addi %mul3A_10, %mul3A_90 : i32
        %dma_start3A_92 = tpu.memref_slice %arg2[%add3A_91] : memref<6400000xi32, #tpu.memory_space<hbm>> -> memref<4000xi32, #tpu.memory_space<hbm>>
        %dma_start3A_93 = tpu.memref_slice %arg2[%add3A_91] : memref<6400000xi32, #tpu.memory_space<hbm>> -> memref<4000xi32, #tpu.memory_space<hbm>>
        tpu.enqueue_dma source(%dma_start3A_93 : memref<4000xi32, #tpu.memory_space<hbm>>) target(%arg12 : memref<4000xi32, #tpu.memory_space<vmem>>) target_semaphore(%arg19 : memref<!tpu.dma_semaphore, #tpu.memory_space<semaphore_mem>>)
        %dma_start3A_94 = tpu.memref_slice %arg3[%add3A_91] : memref<6400000xi32, #tpu.memory_space<hbm>> -> memref<4000xi32, #tpu.memory_space<hbm>>
        %dma_start3A_95 = tpu.memref_slice %arg3[%add3A_91] : memref<6400000xi32, #tpu.memory_space<hbm>> -> memref<4000xi32, #tpu.memory_space<hbm>>
        tpu.enqueue_dma source(%dma_start3A_95 : memref<4000xi32, #tpu.memory_space<hbm>>) target(%arg13 : memref<4000xi32, #tpu.memory_space<vmem>>) target_semaphore(%arg19 : memref<!tpu.dma_semaphore, #tpu.memory_space<semaphore_mem>>)
      } else {
      }
      %dma_wait3A_46 = arith.constant 0 : i32
      %dma_wait3A_47 = tpu.memref_slice %arg6[%dma_wait3A_46] : memref<100352xf32, #tpu.memory_space<vmem_shared>> -> memref<100352xf32, #tpu.memory_space<vmem_shared>>
      tpu.wait_indirect_dma semaphore(%arg20 : memref<!tpu.dma_semaphore, #tpu.memory_space<semaphore_mem>>) src(%dma_wait3A_47 : memref<100352xf32, #tpu.memory_space<vmem_shared>>) dst(%arg14 : memref<4000xf32, #tpu.memory_space<vmem>>)
      %dma_wait3A_48 = arith.constant 0 : i32
      %dma_wait3A_49 = tpu.memref_slice %arg7[%dma_wait3A_48] : memref<100352xf32, #tpu.memory_space<vmem_shared>> -> memref<100352xf32, #tpu.memory_space<vmem_shared>>
      tpu.wait_indirect_dma semaphore(%arg20 : memref<!tpu.dma_semaphore, #tpu.memory_space<semaphore_mem>>) src(%dma_wait3A_49 : memref<100352xf32, #tpu.memory_space<vmem_shared>>) dst(%arg15 : memref<4000xf32, #tpu.memory_space<vmem>>)
      %dma_start3A_50 = arith.constant 0 : i32
      %dma_start3A_51 = tpu.memref_slice %arg8[%dma_start3A_50] : memref<100352xf32, #tpu.memory_space<vmem_shared>> -> memref<100352xf32, #tpu.memory_space<vmem_shared>>
      tpu.enqueue_indirect_dma source(%arg14 : memref<4000xf32, #tpu.memory_space<vmem>>) target(%dma_start3A_51 : memref<100352xf32, #tpu.memory_space<vmem_shared>>) offsets(%arg11 : memref<4000xi32, #tpu.memory_space<vmem>>) semaphore(%arg21 : memref<!tpu.dma_semaphore, #tpu.memory_space<semaphore_mem>>) {add = true}
      %dma_start3A_52 = arith.constant 0 : i32
      %dma_start3A_53 = tpu.memref_slice %arg9[%dma_start3A_52] : memref<100352xf32, #tpu.memory_space<vmem_shared>> -> memref<100352xf32, #tpu.memory_space<vmem_shared>>
      tpu.enqueue_indirect_dma source(%arg15 : memref<4000xf32, #tpu.memory_space<vmem>>) target(%dma_start3A_53 : memref<100352xf32, #tpu.memory_space<vmem_shared>>) offsets(%arg11 : memref<4000xi32, #tpu.memory_space<vmem>>) semaphore(%arg21 : memref<!tpu.dma_semaphore, #tpu.memory_space<semaphore_mem>>) {add = true}
      %mul3A_54 = arith.constant 2 : i32
      %mul3A_55 = arith.muli %mul3A_54, %scan3A_26 : i32
      %add3A_56 = arith.constant 1 : i32
      %add3A_57 = arith.addi %mul3A_55, %add3A_56 : i32
      %mul3A_58 = arith.constant 4000 : i32
      %mul3A_59 = arith.muli %add3A_57, %mul3A_58 : i32
      %add3A_60 = arith.addi %mul3A_10, %mul3A_59 : i32
      %dma_wait3A_61 = tpu.memref_slice %arg2[%add3A_60] : memref<6400000xi32, #tpu.memory_space<hbm>> -> memref<4000xi32, #tpu.memory_space<hbm>>
      %dma_wait3A_62 = tpu.memref_slice %arg2[%add3A_60] : memref<6400000xi32, #tpu.memory_space<hbm>> -> memref<4000xi32, #tpu.memory_space<hbm>>
      tpu.wait_dma2 semaphore(%arg19 : memref<!tpu.dma_semaphore, #tpu.memory_space<semaphore_mem>>) src(%dma_wait3A_62 : memref<4000xi32, #tpu.memory_space<hbm>>) dst(%arg12 : memref<4000xi32, #tpu.memory_space<vmem>>)
      %dma_wait3A_63 = tpu.memref_slice %arg3[%add3A_60] : memref<6400000xi32, #tpu.memory_space<hbm>> -> memref<4000xi32, #tpu.memory_space<hbm>>
      %dma_wait3A_64 = tpu.memref_slice %arg3[%add3A_60] : memref<6400000xi32, #tpu.memory_space<hbm>> -> memref<4000xi32, #tpu.memory_space<hbm>>
      tpu.wait_dma2 semaphore(%arg19 : memref<!tpu.dma_semaphore, #tpu.memory_space<semaphore_mem>>) src(%dma_wait3A_64 : memref<4000xi32, #tpu.memory_space<hbm>>) dst(%arg13 : memref<4000xi32, #tpu.memory_space<vmem>>)
      %dma_start3A_65 = arith.constant 0 : i32
      %dma_start3A_66 = tpu.memref_slice %arg6[%dma_start3A_65] : memref<100352xf32, #tpu.memory_space<vmem_shared>> -> memref<100352xf32, #tpu.memory_space<vmem_shared>>
      tpu.enqueue_indirect_dma source(%dma_start3A_66 : memref<100352xf32, #tpu.memory_space<vmem_shared>>) target(%arg16 : memref<4000xf32, #tpu.memory_space<vmem>>) offsets(%arg12 : memref<4000xi32, #tpu.memory_space<vmem>>) semaphore(%arg20 : memref<!tpu.dma_semaphore, #tpu.memory_space<semaphore_mem>>)
      %dma_start3A_67 = arith.constant 0 : i32
      %dma_start3A_68 = tpu.memref_slice %arg7[%dma_start3A_67] : memref<100352xf32, #tpu.memory_space<vmem_shared>> -> memref<100352xf32, #tpu.memory_space<vmem_shared>>
      tpu.enqueue_indirect_dma source(%dma_start3A_68 : memref<100352xf32, #tpu.memory_space<vmem_shared>>) target(%arg17 : memref<4000xf32, #tpu.memory_space<vmem>>) offsets(%arg12 : memref<4000xi32, #tpu.memory_space<vmem>>) semaphore(%arg20 : memref<!tpu.dma_semaphore, #tpu.memory_space<semaphore_mem>>)
      %ge3A_69 = arith.constant 1 : i32
      %ge3A_70 = arith.cmpi sge, %add3A_57, %ge3A_69 : i32
      %convert_element_type3A_71 = arith.extui %ge3A_70 : i1 to i32
      %cond3A_72 = arith.constant 0 : i32
      %cond3A_73 = arith.cmpi ne, %convert_element_type3A_71, %cond3A_72 : i32
      scf.if %cond3A_73 {
        %dma_wait3A_87 = arith.constant 0 : i32
        %dma_wait3A_88 = tpu.memref_slice %arg8[%dma_wait3A_87] : memref<100352xf32, #tpu.memory_space<vmem_shared>> -> memref<100352xf32, #tpu.memory_space<vmem_shared>>
        tpu.wait_indirect_dma semaphore(%arg21 : memref<!tpu.dma_semaphore, #tpu.memory_space<semaphore_mem>>) src(%arg14 : memref<4000xf32, #tpu.memory_space<vmem>>) dst(%dma_wait3A_88 : memref<100352xf32, #tpu.memory_space<vmem_shared>>)
        %dma_wait3A_89 = arith.constant 0 : i32
        %dma_wait3A_90 = tpu.memref_slice %arg9[%dma_wait3A_89] : memref<100352xf32, #tpu.memory_space<vmem_shared>> -> memref<100352xf32, #tpu.memory_space<vmem_shared>>
        tpu.wait_indirect_dma semaphore(%arg21 : memref<!tpu.dma_semaphore, #tpu.memory_space<semaphore_mem>>) src(%arg15 : memref<4000xf32, #tpu.memory_space<vmem>>) dst(%dma_wait3A_90 : memref<100352xf32, #tpu.memory_space<vmem_shared>>)
      } else {
      }
      %lt3A_74 = arith.constant 49 : i32
      %lt3A_75 = arith.cmpi slt, %add3A_57, %lt3A_74 : i32
      %convert_element_type3A_76 = arith.extui %lt3A_75 : i1 to i32
      %cond3A_77 = arith.constant 0 : i32
      %cond3A_78 = arith.cmpi ne, %convert_element_type3A_76, %cond3A_77 : i32
      scf.if %cond3A_78 {
        %add3A_87 = arith.constant 1 : i32
        %add3A_88 = arith.addi %add3A_57, %add3A_87 : i32
        %mul3A_89 = arith.constant 4000 : i32
        %mul3A_90 = arith.muli %add3A_88, %mul3A_89 : i32
        %add3A_91 = arith.addi %mul3A_10, %mul3A_90 : i32
        %dma_start3A_92 = tpu.memref_slice %arg2[%add3A_91] : memref<6400000xi32, #tpu.memory_space<hbm>> -> memref<4000xi32, #tpu.memory_space<hbm>>
        %dma_start3A_93 = tpu.memref_slice %arg2[%add3A_91] : memref<6400000xi32, #tpu.memory_space<hbm>> -> memref<4000xi32, #tpu.memory_space<hbm>>
        tpu.enqueue_dma source(%dma_start3A_93 : memref<4000xi32, #tpu.memory_space<hbm>>) target(%arg10 : memref<4000xi32, #tpu.memory_space<vmem>>) target_semaphore(%arg19 : memref<!tpu.dma_semaphore, #tpu.memory_space<semaphore_mem>>)
        %dma_start3A_94 = tpu.memref_slice %arg3[%add3A_91] : memref<6400000xi32, #tpu.memory_space<hbm>> -> memref<4000xi32, #tpu.memory_space<hbm>>
        %dma_start3A_95 = tpu.memref_slice %arg3[%add3A_91] : memref<6400000xi32, #tpu.memory_space<hbm>> -> memref<4000xi32, #tpu.memory_space<hbm>>
        tpu.enqueue_dma source(%dma_start3A_95 : memref<4000xi32, #tpu.memory_space<hbm>>) target(%arg11 : memref<4000xi32, #tpu.memory_space<vmem>>) target_semaphore(%arg19 : memref<!tpu.dma_semaphore, #tpu.memory_space<semaphore_mem>>)
      } else {
      }
      %dma_wait3A_79 = arith.constant 0 : i32
      %dma_wait3A_80 = tpu.memref_slice %arg6[%dma_wait3A_79] : memref<100352xf32, #tpu.memory_space<vmem_shared>> -> memref<100352xf32, #tpu.memory_space<vmem_shared>>
      tpu.wait_indirect_dma semaphore(%arg20 : memref<!tpu.dma_semaphore, #tpu.memory_space<semaphore_mem>>) src(%dma_wait3A_80 : memref<100352xf32, #tpu.memory_space<vmem_shared>>) dst(%arg16 : memref<4000xf32, #tpu.memory_space<vmem>>)
      %dma_wait3A_81 = arith.constant 0 : i32
      %dma_wait3A_82 = tpu.memref_slice %arg7[%dma_wait3A_81] : memref<100352xf32, #tpu.memory_space<vmem_shared>> -> memref<100352xf32, #tpu.memory_space<vmem_shared>>
      tpu.wait_indirect_dma semaphore(%arg20 : memref<!tpu.dma_semaphore, #tpu.memory_space<semaphore_mem>>) src(%dma_wait3A_82 : memref<100352xf32, #tpu.memory_space<vmem_shared>>) dst(%arg17 : memref<4000xf32, #tpu.memory_space<vmem>>)
      %dma_start3A_83 = arith.constant 0 : i32
      %dma_start3A_84 = tpu.memref_slice %arg8[%dma_start3A_83] : memref<100352xf32, #tpu.memory_space<vmem_shared>> -> memref<100352xf32, #tpu.memory_space<vmem_shared>>
      tpu.enqueue_indirect_dma source(%arg16 : memref<4000xf32, #tpu.memory_space<vmem>>) target(%dma_start3A_84 : memref<100352xf32, #tpu.memory_space<vmem_shared>>) offsets(%arg13 : memref<4000xi32, #tpu.memory_space<vmem>>) semaphore(%arg21 : memref<!tpu.dma_semaphore, #tpu.memory_space<semaphore_mem>>) {add = true}
      %dma_start3A_85 = arith.constant 0 : i32
      %dma_start3A_86 = tpu.memref_slice %arg9[%dma_start3A_85] : memref<100352xf32, #tpu.memory_space<vmem_shared>> -> memref<100352xf32, #tpu.memory_space<vmem_shared>>
      tpu.enqueue_indirect_dma source(%arg17 : memref<4000xf32, #tpu.memory_space<vmem>>) target(%dma_start3A_86 : memref<100352xf32, #tpu.memory_space<vmem_shared>>) offsets(%arg13 : memref<4000xi32, #tpu.memory_space<vmem>>) semaphore(%arg21 : memref<!tpu.dma_semaphore, #tpu.memory_space<semaphore_mem>>) {add = true}
    }
    %scan3A_19 = arith.constant 25 : i32
    %dma_wait3A = arith.constant 0 : i32
    %dma_wait3A_20 = tpu.memref_slice %arg8[%dma_wait3A] : memref<100352xf32, #tpu.memory_space<vmem_shared>> -> memref<100352xf32, #tpu.memory_space<vmem_shared>>
    tpu.wait_indirect_dma semaphore(%arg21 : memref<!tpu.dma_semaphore, #tpu.memory_space<semaphore_mem>>) src(%arg16 : memref<4000xf32, #tpu.memory_space<vmem>>) dst(%dma_wait3A_20 : memref<100352xf32, #tpu.memory_space<vmem_shared>>)
    %dma_wait3A_21 = arith.constant 0 : i32
    %dma_wait3A_22 = tpu.memref_slice %arg9[%dma_wait3A_21] : memref<100352xf32, #tpu.memory_space<vmem_shared>> -> memref<100352xf32, #tpu.memory_space<vmem_shared>>
    tpu.wait_indirect_dma semaphore(%arg21 : memref<!tpu.dma_semaphore, #tpu.memory_space<semaphore_mem>>) src(%arg17 : memref<4000xf32, #tpu.memory_space<vmem>>) dst(%dma_wait3A_22 : memref<100352xf32, #tpu.memory_space<vmem_shared>>)
    %barrier3A_23 = arith.constant 0 : index
    tpu.barrier barrier_id(%barrier3A_23)
    %run_scoped3A_24 = arith.constant 0 : i32
    "tpu.region"() ({
      %run_scoped3A_26 = tpu.sem_alloc : memref<!tpu.dma_semaphore, #tpu.memory_space<semaphore_mem>>
      %dma_start3A_27 = tpu.memref_slice %arg5[%arg0, %run_scoped3A_24, %mul3A_0] : memref<2x2x100352xf32, #tpu.memory_space<hbm>> -> memref<1x1x6272xf32, #tpu.memory_space<hbm>>
      %dma_start3A_28 = tpu.memref_squeeze %dma_start3A_27 : memref<1x1x6272xf32, #tpu.memory_space<hbm>> -> memref<6272xf32, #tpu.memory_space<hbm>>
      %dma_start3A_29 = tpu.memref_slice %arg8[%mul3A_0] : memref<100352xf32, #tpu.memory_space<vmem_shared>> -> memref<6272xf32, #tpu.memory_space<vmem_shared>>
      tpu.enqueue_dma source(%dma_start3A_29 : memref<6272xf32, #tpu.memory_space<vmem_shared>>) target(%dma_start3A_28 : memref<6272xf32, #tpu.memory_space<hbm>>) target_semaphore(%run_scoped3A_26 : memref<!tpu.dma_semaphore, #tpu.memory_space<semaphore_mem>>)
      %dma_wait3A_30 = tpu.memref_slice %arg5[%arg0, %run_scoped3A_24, %mul3A_0] : memref<2x2x100352xf32, #tpu.memory_space<hbm>> -> memref<1x1x6272xf32, #tpu.memory_space<hbm>>
      %dma_wait3A_31 = tpu.memref_squeeze %dma_wait3A_30 : memref<1x1x6272xf32, #tpu.memory_space<hbm>> -> memref<6272xf32, #tpu.memory_space<hbm>>
      %dma_wait3A_32 = tpu.memref_slice %arg8[%mul3A_0] : memref<100352xf32, #tpu.memory_space<vmem_shared>> -> memref<6272xf32, #tpu.memory_space<vmem_shared>>
      tpu.wait_dma2 semaphore(%run_scoped3A_26 : memref<!tpu.dma_semaphore, #tpu.memory_space<semaphore_mem>>) src(%dma_wait3A_32 : memref<6272xf32, #tpu.memory_space<vmem_shared>>) dst(%dma_wait3A_31 : memref<6272xf32, #tpu.memory_space<hbm>>)
      tpu.yield
    }) : () -> ()
    %run_scoped3A_25 = arith.constant 1 : i32
    "tpu.region"() ({
      %run_scoped3A_26 = tpu.sem_alloc : memref<!tpu.dma_semaphore, #tpu.memory_space<semaphore_mem>>
      %dma_start3A_27 = tpu.memref_slice %arg5[%arg0, %run_scoped3A_25, %mul3A_0] : memref<2x2x100352xf32, #tpu.memory_space<hbm>> -> memref<1x1x6272xf32, #tpu.memory_space<hbm>>
      %dma_start3A_28 = tpu.memref_squeeze %dma_start3A_27 : memref<1x1x6272xf32, #tpu.memory_space<hbm>> -> memref<6272xf32, #tpu.memory_space<hbm>>
      %dma_start3A_29 = tpu.memref_slice %arg9[%mul3A_0] : memref<100352xf32, #tpu.memory_space<vmem_shared>> -> memref<6272xf32, #tpu.memory_space<vmem_shared>>
      tpu.enqueue_dma source(%dma_start3A_29 : memref<6272xf32, #tpu.memory_space<vmem_shared>>) target(%dma_start3A_28 : memref<6272xf32, #tpu.memory_space<hbm>>) target_semaphore(%run_scoped3A_26 : memref<!tpu.dma_semaphore, #tpu.memory_space<semaphore_mem>>)
      %dma_wait3A_30 = tpu.memref_slice %arg5[%arg0, %run_scoped3A_25, %mul3A_0] : memref<2x2x100352xf32, #tpu.memory_space<hbm>> -> memref<1x1x6272xf32, #tpu.memory_space<hbm>>
      %dma_wait3A_31 = tpu.memref_squeeze %dma_wait3A_30 : memref<1x1x6272xf32, #tpu.memory_space<hbm>> -> memref<6272xf32, #tpu.memory_space<hbm>>
      %dma_wait3A_32 = tpu.memref_slice %arg9[%mul3A_0] : memref<100352xf32, #tpu.memory_space<vmem_shared>> -> memref<6272xf32, #tpu.memory_space<vmem_shared>>
      tpu.wait_dma2 semaphore(%run_scoped3A_26 : memref<!tpu.dma_semaphore, #tpu.memory_space<semaphore_mem>>) src(%dma_wait3A_32 : memref<6272xf32, #tpu.memory_space<vmem_shared>>) dst(%dma_wait3A_31 : memref<6272xf32, #tpu.memory_space<hbm>>)
      tpu.yield
    }) : () -> ()
    return
  }
}

#map = affine_map<(d0, d1) -> (0)>
#map1 = affine_map<(d0, d1) -> (0, 0)>
#map2 = affine_map<(d0, d1) -> (0, 0, 0)>
module attributes {stable_mosaic.version = 14 : i64} {
  func.func @_sc_pass(%arg0: i32, %arg1: i32, %arg2: memref<6400000xi32, #tpu.memory_space<hbm>>, %arg3: memref<6400000xi32, #tpu.memory_space<hbm>>, %arg4: memref<2x100352xf32, #tpu.memory_space<hbm>>, %arg5: memref<2x2x100352xf32, #tpu.memory_space<hbm>>, %arg6: memref<100352xf32, #tpu.memory_space<vmem_shared>>, %arg7: memref<100352xf32, #tpu.memory_space<vmem_shared>>, %arg8: memref<100352xf32, #tpu.memory_space<vmem_shared>>, %arg9: memref<100352xf32, #tpu.memory_space<vmem_shared>>, %arg10: memref<4000xi32, #tpu.memory_space<vmem>>, %arg11: memref<4000xi32, #tpu.memory_space<vmem>>, %arg12: memref<4000xi32, #tpu.memory_space<vmem>>, %arg13: memref<4000xi32, #tpu.memory_space<vmem>>, %arg14: memref<4000xf32, #tpu.memory_space<vmem>>, %arg15: memref<4000xf32, #tpu.memory_space<vmem>>, %arg16: memref<4000xf32, #tpu.memory_space<vmem>>, %arg17: memref<4000xf32, #tpu.memory_space<vmem>>, %arg18: memref<6272xf32, #tpu.memory_space<vmem>>, %arg19: memref<!tpu.dma_semaphore, #tpu.memory_space<semaphore_mem>>, %arg20: memref<!tpu.dma_semaphore, #tpu.memory_space<semaphore_mem>>, %arg21: memref<!tpu.dma_semaphore, #tpu.memory_space<semaphore_mem>>) attributes {dimension_semantics = [#tpu.dimension_semantics<core_parallel>, #tpu.dimension_semantics<subcore_parallel>], iteration_bounds = array<i64: 2, 16>, scalar_prefetch = 0 : i64, scratch_operands = 16 : i64, tpu.core_type = #tpu.core_type<sc_vector_subcore>, window_params = [{transform_indices = #map}, {transform_indices = #map}, {transform_indices = #map1}, {transform_indices = #map2}]} {
    %mul3A = arith.constant 6272 : i32
    %mul3A_0 = arith.muli %arg1, %mul3A : i32
    %scan3A = arith.constant 0 : i32
    %scan3A_1 = arith.constant 0 : i32
    %scan3A_2 = arith.constant 392 : i32
    %scan3A_3 = arith.addi %scan3A_1, %scan3A_2 : i32
    %scan3A_4 = arith.constant 1 : i32
    scf.for %scan3A_26 = %scan3A_1 to %scan3A_3 step %scan3A_4  : i32 {
      %broadcast_in_dim3A = arith.constant 0.000000e+00 : f32
      %broadcast_in_dim3A_27 = vector.broadcast %broadcast_in_dim3A : f32 to vector<16xf32>
      %mul3A_28 = arith.constant 16 : i32
      %mul3A_29 = arith.muli %scan3A_26, %mul3A_28 : i32
      %swap3A = arith.index_cast %mul3A_29 : i32 to index
      %swap3A_30 = tpu.vector_load %arg18[%swap3A] {strides = array<i32>} : memref<6272xf32, #tpu.memory_space<vmem>>, vector<16xf32>,
      %swap3A_31 = vector.shape_cast %swap3A_30 : vector<16xf32> to vector<16xf32>
      %swap3A_32 = vector.shape_cast %broadcast_in_dim3A_27 : vector<16xf32> to vector<16xf32>
      tpu.vector_store %arg18[%swap3A], %swap3A_32 {strides = array<i32>} : memref<6272xf32, #tpu.memory_space<vmem>>, vector<16xf32>,
    }
    %scan3A_5 = arith.constant 392 : i32
    %run_scoped3A = arith.constant 0 : i32
    "tpu.region"() ({
      %run_scoped3A_26 = tpu.sem_alloc : memref<!tpu.dma_semaphore, #tpu.memory_space<semaphore_mem>>
      %dma_start3A_27 = tpu.memref_slice %arg6[%mul3A_0] : memref<100352xf32, #tpu.memory_space<vmem_shared>> -> memref<6272xf32, #tpu.memory_space<vmem_shared>>
      %dma_start3A_28 = tpu.memref_slice %arg4[%run_scoped3A, %mul3A_0] : memref<2x100352xf32, #tpu.memory_space<hbm>> -> memref<1x6272xf32, #tpu.memory_space<hbm>>
      %dma_start3A_29 = tpu.memref_squeeze %dma_start3A_28 : memref<1x6272xf32, #tpu.memory_space<hbm>> -> memref<6272xf32, #tpu.memory_space<hbm>>
      tpu.enqueue_dma source(%dma_start3A_29 : memref<6272xf32, #tpu.memory_space<hbm>>) target(%dma_start3A_27 : memref<6272xf32, #tpu.memory_space<vmem_shared>>) target_semaphore(%run_scoped3A_26 : memref<!tpu.dma_semaphore, #tpu.memory_space<semaphore_mem>>)
      %dma_wait3A_30 = tpu.memref_slice %arg6[%mul3A_0] : memref<100352xf32, #tpu.memory_space<vmem_shared>> -> memref<6272xf32, #tpu.memory_space<vmem_shared>>
      %dma_wait3A_31 = tpu.memref_slice %arg4[%run_scoped3A, %mul3A_0] : memref<2x100352xf32, #tpu.memory_space<hbm>> -> memref<1x6272xf32, #tpu.memory_space<hbm>>
      %dma_wait3A_32 = tpu.memref_squeeze %dma_wait3A_31 : memref<1x6272xf32, #tpu.memory_space<hbm>> -> memref<6272xf32, #tpu.memory_space<hbm>>
      tpu.wait_dma2 semaphore(%run_scoped3A_26 : memref<!tpu.dma_semaphore, #tpu.memory_space<semaphore_mem>>) src(%dma_wait3A_32 : memref<6272xf32, #tpu.memory_space<hbm>>) dst(%dma_wait3A_30 : memref<6272xf32, #tpu.memory_space<vmem_shared>>)
      tpu.yield
    }) : () -> ()
    %run_scoped3A_6 = arith.constant 1 : i32
    "tpu.region"() ({
      %run_scoped3A_26 = tpu.sem_alloc : memref<!tpu.dma_semaphore, #tpu.memory_space<semaphore_mem>>
      %dma_start3A_27 = tpu.memref_slice %arg7[%mul3A_0] : memref<100352xf32, #tpu.memory_space<vmem_shared>> -> memref<6272xf32, #tpu.memory_space<vmem_shared>>
      %dma_start3A_28 = tpu.memref_slice %arg4[%run_scoped3A_6, %mul3A_0] : memref<2x100352xf32, #tpu.memory_space<hbm>> -> memref<1x6272xf32, #tpu.memory_space<hbm>>
      %dma_start3A_29 = tpu.memref_squeeze %dma_start3A_28 : memref<1x6272xf32, #tpu.memory_space<hbm>> -> memref<6272xf32, #tpu.memory_space<hbm>>
      tpu.enqueue_dma source(%dma_start3A_29 : memref<6272xf32, #tpu.memory_space<hbm>>) target(%dma_start3A_27 : memref<6272xf32, #tpu.memory_space<vmem_shared>>) target_semaphore(%run_scoped3A_26 : memref<!tpu.dma_semaphore, #tpu.memory_space<semaphore_mem>>)
      %dma_wait3A_30 = tpu.memref_slice %arg7[%mul3A_0] : memref<100352xf32, #tpu.memory_space<vmem_shared>> -> memref<6272xf32, #tpu.memory_space<vmem_shared>>
      %dma_wait3A_31 = tpu.memref_slice %arg4[%run_scoped3A_6, %mul3A_0] : memref<2x100352xf32, #tpu.memory_space<hbm>> -> memref<1x6272xf32, #tpu.memory_space<hbm>>
      %dma_wait3A_32 = tpu.memref_squeeze %dma_wait3A_31 : memref<1x6272xf32, #tpu.memory_space<hbm>> -> memref<6272xf32, #tpu.memory_space<hbm>>
      tpu.wait_dma2 semaphore(%run_scoped3A_26 : memref<!tpu.dma_semaphore, #tpu.memory_space<semaphore_mem>>) src(%dma_wait3A_32 : memref<6272xf32, #tpu.memory_space<hbm>>) dst(%dma_wait3A_30 : memref<6272xf32, #tpu.memory_space<vmem_shared>>)
      tpu.yield
    }) : () -> ()
    "tpu.region"() ({
      %run_scoped3A_26 = tpu.sem_alloc : memref<!tpu.dma_semaphore, #tpu.memory_space<semaphore_mem>>
      %dma_start3A_27 = tpu.memref_slice %arg8[%mul3A_0] : memref<100352xf32, #tpu.memory_space<vmem_shared>> -> memref<6272xf32, #tpu.memory_space<vmem_shared>>
      %dma_start3A_28 = tpu.memref_slice %arg8[%mul3A_0] : memref<100352xf32, #tpu.memory_space<vmem_shared>> -> memref<6272xf32, #tpu.memory_space<vmem_shared>>
      tpu.enqueue_dma source(%arg18 : memref<6272xf32, #tpu.memory_space<vmem>>) target(%dma_start3A_28 : memref<6272xf32, #tpu.memory_space<vmem_shared>>) target_semaphore(%run_scoped3A_26 : memref<!tpu.dma_semaphore, #tpu.memory_space<semaphore_mem>>)
      %dma_wait3A_29 = tpu.memref_slice %arg8[%mul3A_0] : memref<100352xf32, #tpu.memory_space<vmem_shared>> -> memref<6272xf32, #tpu.memory_space<vmem_shared>>
      %dma_wait3A_30 = tpu.memref_slice %arg8[%mul3A_0] : memref<100352xf32, #tpu.memory_space<vmem_shared>> -> memref<6272xf32, #tpu.memory_space<vmem_shared>>
      tpu.wait_dma2 semaphore(%run_scoped3A_26 : memref<!tpu.dma_semaphore, #tpu.memory_space<semaphore_mem>>) src(%arg18 : memref<6272xf32, #tpu.memory_space<vmem>>) dst(%dma_wait3A_30 : memref<6272xf32, #tpu.memory_space<vmem_shared>>)
      tpu.yield
    }) : () -> ()
    "tpu.region"() ({
      %run_scoped3A_26 = tpu.sem_alloc : memref<!tpu.dma_semaphore, #tpu.memory_space<semaphore_mem>>
      %dma_start3A_27 = tpu.memref_slice %arg9[%mul3A_0] : memref<100352xf32, #tpu.memory_space<vmem_shared>> -> memref<6272xf32, #tpu.memory_space<vmem_shared>>
      %dma_start3A_28 = tpu.memref_slice %arg9[%mul3A_0] : memref<100352xf32, #tpu.memory_space<vmem_shared>> -> memref<6272xf32, #tpu.memory_space<vmem_shared>>
      tpu.enqueue_dma source(%arg18 : memref<6272xf32, #tpu.memory_space<vmem>>) target(%dma_start3A_28 : memref<6272xf32, #tpu.memory_space<vmem_shared>>) target_semaphore(%run_scoped3A_26 : memref<!tpu.dma_semaphore, #tpu.memory_space<semaphore_mem>>)
      %dma_wait3A_29 = tpu.memref_slice %arg9[%mul3A_0] : memref<100352xf32, #tpu.memory_space<vmem_shared>> -> memref<6272xf32, #tpu.memory_space<vmem_shared>>
      %dma_wait3A_30 = tpu.memref_slice %arg9[%mul3A_0] : memref<100352xf32, #tpu.memory_space<vmem_shared>> -> memref<6272xf32, #tpu.memory_space<vmem_shared>>
      tpu.wait_dma2 semaphore(%run_scoped3A_26 : memref<!tpu.dma_semaphore, #tpu.memory_space<semaphore_mem>>) src(%arg18 : memref<6272xf32, #tpu.memory_space<vmem>>) dst(%dma_wait3A_30 : memref<6272xf32, #tpu.memory_space<vmem_shared>>)
      tpu.yield
    }) : () -> ()
    %barrier3A = arith.constant 0 : index
    tpu.barrier barrier_id(%barrier3A)
    %mul3A_7 = arith.constant 16 : i32
    %mul3A_8 = arith.muli %arg0, %mul3A_7 : i32
    %add3A = arith.addi %mul3A_8, %arg1 : i32
    %mul3A_9 = arith.constant 200000 : i32
    %mul3A_10 = arith.muli %add3A, %mul3A_9 : i32
    %dma_start3A = tpu.memref_slice %arg2[%mul3A_10] : memref<6400000xi32, #tpu.memory_space<hbm>> -> memref<4000xi32, #tpu.memory_space<hbm>>
    %dma_start3A_11 = tpu.memref_slice %arg2[%mul3A_10] : memref<6400000xi32, #tpu.memory_space<hbm>> -> memref<4000xi32, #tpu.memory_space<hbm>>
    tpu.enqueue_dma source(%dma_start3A_11 : memref<4000xi32, #tpu.memory_space<hbm>>) target(%arg10 : memref<4000xi32, #tpu.memory_space<vmem>>) target_semaphore(%arg19 : memref<!tpu.dma_semaphore, #tpu.memory_space<semaphore_mem>>)
    %dma_start3A_12 = tpu.memref_slice %arg3[%mul3A_10] : memref<6400000xi32, #tpu.memory_space<hbm>> -> memref<4000xi32, #tpu.memory_space<hbm>>
    %dma_start3A_13 = tpu.memref_slice %arg3[%mul3A_10] : memref<6400000xi32, #tpu.memory_space<hbm>> -> memref<4000xi32, #tpu.memory_space<hbm>>
    tpu.enqueue_dma source(%dma_start3A_13 : memref<4000xi32, #tpu.memory_space<hbm>>) target(%arg11 : memref<4000xi32, #tpu.memory_space<vmem>>) target_semaphore(%arg19 : memref<!tpu.dma_semaphore, #tpu.memory_space<semaphore_mem>>)
    %scan3A_14 = arith.constant 0 : i32
    %scan3A_15 = arith.constant 0 : i32
    %scan3A_16 = arith.constant 25 : i32
    %scan3A_17 = arith.addi %scan3A_15, %scan3A_16 : i32
    %scan3A_18 = arith.constant 1 : i32
    scf.for %scan3A_26 = %scan3A_15 to %scan3A_17 step %scan3A_18  : i32 {
      %mul3A_27 = arith.constant 2 : i32
      %mul3A_28 = arith.muli %mul3A_27, %scan3A_26 : i32
      %mul3A_29 = arith.constant 4000 : i32
      %mul3A_30 = arith.muli %mul3A_28, %mul3A_29 : i32
      %add3A_31 = arith.addi %mul3A_10, %mul3A_30 : i32
      %dma_wait3A_32 = tpu.memref_slice %arg2[%add3A_31] : memref<6400000xi32, #tpu.memory_space<hbm>> -> memref<4000xi32, #tpu.memory_space<hbm>>
      %dma_wait3A_33 = tpu.memref_slice %arg2[%add3A_31] : memref<6400000xi32, #tpu.memory_space<hbm>> -> memref<4000xi32, #tpu.memory_space<hbm>>
      tpu.wait_dma2 semaphore(%arg19 : memref<!tpu.dma_semaphore, #tpu.memory_space<semaphore_mem>>) src(%dma_wait3A_33 : memref<4000xi32, #tpu.memory_space<hbm>>) dst(%arg10 : memref<4000xi32, #tpu.memory_space<vmem>>)
      %dma_wait3A_34 = tpu.memref_slice %arg3[%add3A_31] : memref<6400000xi32, #tpu.memory_space<hbm>> -> memref<4000xi32, #tpu.memory_space<hbm>>
      %dma_wait3A_35 = tpu.memref_slice %arg3[%add3A_31] : memref<6400000xi32, #tpu.memory_space<hbm>> -> memref<4000xi32, #tpu.memory_space<hbm>>
      tpu.wait_dma2 semaphore(%arg19 : memref<!tpu.dma_semaphore, #tpu.memory_space<semaphore_mem>>) src(%dma_wait3A_35 : memref<4000xi32, #tpu.memory_space<hbm>>) dst(%arg11 : memref<4000xi32, #tpu.memory_space<vmem>>)
      %dma_start3A_36 = arith.constant 0 : i32
      %dma_start3A_37 = tpu.memref_slice %arg6[%dma_start3A_36] : memref<100352xf32, #tpu.memory_space<vmem_shared>> -> memref<100352xf32, #tpu.memory_space<vmem_shared>>
      tpu.enqueue_indirect_dma source(%dma_start3A_37 : memref<100352xf32, #tpu.memory_space<vmem_shared>>) target(%arg14 : memref<4000xf32, #tpu.memory_space<vmem>>) offsets(%arg10 : memref<4000xi32, #tpu.memory_space<vmem>>) semaphore(%arg20 : memref<!tpu.dma_semaphore, #tpu.memory_space<semaphore_mem>>)
      %dma_start3A_38 = arith.constant 0 : i32
      %dma_start3A_39 = tpu.memref_slice %arg7[%dma_start3A_38] : memref<100352xf32, #tpu.memory_space<vmem_shared>> -> memref<100352xf32, #tpu.memory_space<vmem_shared>>
      tpu.enqueue_indirect_dma source(%dma_start3A_39 : memref<100352xf32, #tpu.memory_space<vmem_shared>>) target(%arg15 : memref<4000xf32, #tpu.memory_space<vmem>>) offsets(%arg10 : memref<4000xi32, #tpu.memory_space<vmem>>) semaphore(%arg20 : memref<!tpu.dma_semaphore, #tpu.memory_space<semaphore_mem>>)
      %ge3A = arith.constant 1 : i32
      %ge3A_40 = arith.cmpi sge, %mul3A_28, %ge3A : i32
      %convert_element_type3A = arith.extui %ge3A_40 : i1 to i32
      %cond3A = arith.constant 0 : i32
      %cond3A_41 = arith.cmpi ne, %convert_element_type3A, %cond3A : i32
      scf.if %cond3A_41 {
        %dma_wait3A_87 = arith.constant 0 : i32
        %dma_wait3A_88 = tpu.memref_slice %arg8[%dma_wait3A_87] : memref<100352xf32, #tpu.memory_space<vmem_shared>> -> memref<100352xf32, #tpu.memory_space<vmem_shared>>
        tpu.wait_indirect_dma semaphore(%arg21 : memref<!tpu.dma_semaphore, #tpu.memory_space<semaphore_mem>>) src(%arg16 : memref<4000xf32, #tpu.memory_space<vmem>>) dst(%dma_wait3A_88 : memref<100352xf32, #tpu.memory_space<vmem_shared>>)
        %dma_wait3A_89 = arith.constant 0 : i32
        %dma_wait3A_90 = tpu.memref_slice %arg9[%dma_wait3A_89] : memref<100352xf32, #tpu.memory_space<vmem_shared>> -> memref<100352xf32, #tpu.memory_space<vmem_shared>>
        tpu.wait_indirect_dma semaphore(%arg21 : memref<!tpu.dma_semaphore, #tpu.memory_space<semaphore_mem>>) src(%arg17 : memref<4000xf32, #tpu.memory_space<vmem>>) dst(%dma_wait3A_90 : memref<100352xf32, #tpu.memory_space<vmem_shared>>)
      } else {
      }
      %lt3A = arith.constant 49 : i32
      %lt3A_42 = arith.cmpi slt, %mul3A_28, %lt3A : i32
      %convert_element_type3A_43 = arith.extui %lt3A_42 : i1 to i32
      %cond3A_44 = arith.constant 0 : i32
      %cond3A_45 = arith.cmpi ne, %convert_element_type3A_43, %cond3A_44 : i32
      scf.if %cond3A_45 {
        %add3A_87 = arith.constant 1 : i32
        %add3A_88 = arith.addi %mul3A_28, %add3A_87 : i32
        %mul3A_89 = arith.constant 4000 : i32
        %mul3A_90 = arith.muli %add3A_88, %mul3A_89 : i32
        %add3A_91 = arith.addi %mul3A_10, %mul3A_90 : i32
        %dma_start3A_92 = tpu.memref_slice %arg2[%add3A_91] : memref<6400000xi32, #tpu.memory_space<hbm>> -> memref<4000xi32, #tpu.memory_space<hbm>>
        %dma_start3A_93 = tpu.memref_slice %arg2[%add3A_91] : memref<6400000xi32, #tpu.memory_space<hbm>> -> memref<4000xi32, #tpu.memory_space<hbm>>
        tpu.enqueue_dma source(%dma_start3A_93 : memref<4000xi32, #tpu.memory_space<hbm>>) target(%arg12 : memref<4000xi32, #tpu.memory_space<vmem>>) target_semaphore(%arg19 : memref<!tpu.dma_semaphore, #tpu.memory_space<semaphore_mem>>)
        %dma_start3A_94 = tpu.memref_slice %arg3[%add3A_91] : memref<6400000xi32, #tpu.memory_space<hbm>> -> memref<4000xi32, #tpu.memory_space<hbm>>
        %dma_start3A_95 = tpu.memref_slice %arg3[%add3A_91] : memref<6400000xi32, #tpu.memory_space<hbm>> -> memref<4000xi32, #tpu.memory_space<hbm>>
        tpu.enqueue_dma source(%dma_start3A_95 : memref<4000xi32, #tpu.memory_space<hbm>>) target(%arg13 : memref<4000xi32, #tpu.memory_space<vmem>>) target_semaphore(%arg19 : memref<!tpu.dma_semaphore, #tpu.memory_space<semaphore_mem>>)
      } else {
      }
      %dma_wait3A_46 = arith.constant 0 : i32
      %dma_wait3A_47 = tpu.memref_slice %arg6[%dma_wait3A_46] : memref<100352xf32, #tpu.memory_space<vmem_shared>> -> memref<100352xf32, #tpu.memory_space<vmem_shared>>
      tpu.wait_indirect_dma semaphore(%arg20 : memref<!tpu.dma_semaphore, #tpu.memory_space<semaphore_mem>>) src(%dma_wait3A_47 : memref<100352xf32, #tpu.memory_space<vmem_shared>>) dst(%arg14 : memref<4000xf32, #tpu.memory_space<vmem>>)
      %dma_wait3A_48 = arith.constant 0 : i32
      %dma_wait3A_49 = tpu.memref_slice %arg7[%dma_wait3A_48] : memref<100352xf32, #tpu.memory_space<vmem_shared>> -> memref<100352xf32, #tpu.memory_space<vmem_shared>>
      tpu.wait_indirect_dma semaphore(%arg20 : memref<!tpu.dma_semaphore, #tpu.memory_space<semaphore_mem>>) src(%dma_wait3A_49 : memref<100352xf32, #tpu.memory_space<vmem_shared>>) dst(%arg15 : memref<4000xf32, #tpu.memory_space<vmem>>)
      %dma_start3A_50 = arith.constant 0 : i32
      %dma_start3A_51 = tpu.memref_slice %arg8[%dma_start3A_50] : memref<100352xf32, #tpu.memory_space<vmem_shared>> -> memref<100352xf32, #tpu.memory_space<vmem_shared>>
      tpu.enqueue_indirect_dma source(%arg14 : memref<4000xf32, #tpu.memory_space<vmem>>) target(%dma_start3A_51 : memref<100352xf32, #tpu.memory_space<vmem_shared>>) offsets(%arg11 : memref<4000xi32, #tpu.memory_space<vmem>>) semaphore(%arg21 : memref<!tpu.dma_semaphore, #tpu.memory_space<semaphore_mem>>) {add = true}
      %dma_start3A_52 = arith.constant 0 : i32
      %dma_start3A_53 = tpu.memref_slice %arg9[%dma_start3A_52] : memref<100352xf32, #tpu.memory_space<vmem_shared>> -> memref<100352xf32, #tpu.memory_space<vmem_shared>>
      tpu.enqueue_indirect_dma source(%arg15 : memref<4000xf32, #tpu.memory_space<vmem>>) target(%dma_start3A_53 : memref<100352xf32, #tpu.memory_space<vmem_shared>>) offsets(%arg11 : memref<4000xi32, #tpu.memory_space<vmem>>) semaphore(%arg21 : memref<!tpu.dma_semaphore, #tpu.memory_space<semaphore_mem>>) {add = true}
      %mul3A_54 = arith.constant 2 : i32
      %mul3A_55 = arith.muli %mul3A_54, %scan3A_26 : i32
      %add3A_56 = arith.constant 1 : i32
      %add3A_57 = arith.addi %mul3A_55, %add3A_56 : i32
      %mul3A_58 = arith.constant 4000 : i32
      %mul3A_59 = arith.muli %add3A_57, %mul3A_58 : i32
      %add3A_60 = arith.addi %mul3A_10, %mul3A_59 : i32
      %dma_wait3A_61 = tpu.memref_slice %arg2[%add3A_60] : memref<6400000xi32, #tpu.memory_space<hbm>> -> memref<4000xi32, #tpu.memory_space<hbm>>
      %dma_wait3A_62 = tpu.memref_slice %arg2[%add3A_60] : memref<6400000xi32, #tpu.memory_space<hbm>> -> memref<4000xi32, #tpu.memory_space<hbm>>
      tpu.wait_dma2 semaphore(%arg19 : memref<!tpu.dma_semaphore, #tpu.memory_space<semaphore_mem>>) src(%dma_wait3A_62 : memref<4000xi32, #tpu.memory_space<hbm>>) dst(%arg12 : memref<4000xi32, #tpu.memory_space<vmem>>)
      %dma_wait3A_63 = tpu.memref_slice %arg3[%add3A_60] : memref<6400000xi32, #tpu.memory_space<hbm>> -> memref<4000xi32, #tpu.memory_space<hbm>>
      %dma_wait3A_64 = tpu.memref_slice %arg3[%add3A_60] : memref<6400000xi32, #tpu.memory_space<hbm>> -> memref<4000xi32, #tpu.memory_space<hbm>>
      tpu.wait_dma2 semaphore(%arg19 : memref<!tpu.dma_semaphore, #tpu.memory_space<semaphore_mem>>) src(%dma_wait3A_64 : memref<4000xi32, #tpu.memory_space<hbm>>) dst(%arg13 : memref<4000xi32, #tpu.memory_space<vmem>>)
      %dma_start3A_65 = arith.constant 0 : i32
      %dma_start3A_66 = tpu.memref_slice %arg6[%dma_start3A_65] : memref<100352xf32, #tpu.memory_space<vmem_shared>> -> memref<100352xf32, #tpu.memory_space<vmem_shared>>
      tpu.enqueue_indirect_dma source(%dma_start3A_66 : memref<100352xf32, #tpu.memory_space<vmem_shared>>) target(%arg16 : memref<4000xf32, #tpu.memory_space<vmem>>) offsets(%arg12 : memref<4000xi32, #tpu.memory_space<vmem>>) semaphore(%arg20 : memref<!tpu.dma_semaphore, #tpu.memory_space<semaphore_mem>>)
      %dma_start3A_67 = arith.constant 0 : i32
      %dma_start3A_68 = tpu.memref_slice %arg7[%dma_start3A_67] : memref<100352xf32, #tpu.memory_space<vmem_shared>> -> memref<100352xf32, #tpu.memory_space<vmem_shared>>
      tpu.enqueue_indirect_dma source(%dma_start3A_68 : memref<100352xf32, #tpu.memory_space<vmem_shared>>) target(%arg17 : memref<4000xf32, #tpu.memory_space<vmem>>) offsets(%arg12 : memref<4000xi32, #tpu.memory_space<vmem>>) semaphore(%arg20 : memref<!tpu.dma_semaphore, #tpu.memory_space<semaphore_mem>>)
      %ge3A_69 = arith.constant 1 : i32
      %ge3A_70 = arith.cmpi sge, %add3A_57, %ge3A_69 : i32
      %convert_element_type3A_71 = arith.extui %ge3A_70 : i1 to i32
      %cond3A_72 = arith.constant 0 : i32
      %cond3A_73 = arith.cmpi ne, %convert_element_type3A_71, %cond3A_72 : i32
      scf.if %cond3A_73 {
        %dma_wait3A_87 = arith.constant 0 : i32
        %dma_wait3A_88 = tpu.memref_slice %arg8[%dma_wait3A_87] : memref<100352xf32, #tpu.memory_space<vmem_shared>> -> memref<100352xf32, #tpu.memory_space<vmem_shared>>
        tpu.wait_indirect_dma semaphore(%arg21 : memref<!tpu.dma_semaphore, #tpu.memory_space<semaphore_mem>>) src(%arg14 : memref<4000xf32, #tpu.memory_space<vmem>>) dst(%dma_wait3A_88 : memref<100352xf32, #tpu.memory_space<vmem_shared>>)
        %dma_wait3A_89 = arith.constant 0 : i32
        %dma_wait3A_90 = tpu.memref_slice %arg9[%dma_wait3A_89] : memref<100352xf32, #tpu.memory_space<vmem_shared>> -> memref<100352xf32, #tpu.memory_space<vmem_shared>>
        tpu.wait_indirect_dma semaphore(%arg21 : memref<!tpu.dma_semaphore, #tpu.memory_space<semaphore_mem>>) src(%arg15 : memref<4000xf32, #tpu.memory_space<vmem>>) dst(%dma_wait3A_90 : memref<100352xf32, #tpu.memory_space<vmem_shared>>)
      } else {
      }
      %lt3A_74 = arith.constant 49 : i32
      %lt3A_75 = arith.cmpi slt, %add3A_57, %lt3A_74 : i32
      %convert_element_type3A_76 = arith.extui %lt3A_75 : i1 to i32
      %cond3A_77 = arith.constant 0 : i32
      %cond3A_78 = arith.cmpi ne, %convert_element_type3A_76, %cond3A_77 : i32
      scf.if %cond3A_78 {
        %add3A_87 = arith.constant 1 : i32
        %add3A_88 = arith.addi %add3A_57, %add3A_87 : i32
        %mul3A_89 = arith.constant 4000 : i32
        %mul3A_90 = arith.muli %add3A_88, %mul3A_89 : i32
        %add3A_91 = arith.addi %mul3A_10, %mul3A_90 : i32
        %dma_start3A_92 = tpu.memref_slice %arg2[%add3A_91] : memref<6400000xi32, #tpu.memory_space<hbm>> -> memref<4000xi32, #tpu.memory_space<hbm>>
        %dma_start3A_93 = tpu.memref_slice %arg2[%add3A_91] : memref<6400000xi32, #tpu.memory_space<hbm>> -> memref<4000xi32, #tpu.memory_space<hbm>>
        tpu.enqueue_dma source(%dma_start3A_93 : memref<4000xi32, #tpu.memory_space<hbm>>) target(%arg10 : memref<4000xi32, #tpu.memory_space<vmem>>) target_semaphore(%arg19 : memref<!tpu.dma_semaphore, #tpu.memory_space<semaphore_mem>>)
        %dma_start3A_94 = tpu.memref_slice %arg3[%add3A_91] : memref<6400000xi32, #tpu.memory_space<hbm>> -> memref<4000xi32, #tpu.memory_space<hbm>>
        %dma_start3A_95 = tpu.memref_slice %arg3[%add3A_91] : memref<6400000xi32, #tpu.memory_space<hbm>> -> memref<4000xi32, #tpu.memory_space<hbm>>
        tpu.enqueue_dma source(%dma_start3A_95 : memref<4000xi32, #tpu.memory_space<hbm>>) target(%arg11 : memref<4000xi32, #tpu.memory_space<vmem>>) target_semaphore(%arg19 : memref<!tpu.dma_semaphore, #tpu.memory_space<semaphore_mem>>)
      } else {
      }
      %dma_wait3A_79 = arith.constant 0 : i32
      %dma_wait3A_80 = tpu.memref_slice %arg6[%dma_wait3A_79] : memref<100352xf32, #tpu.memory_space<vmem_shared>> -> memref<100352xf32, #tpu.memory_space<vmem_shared>>
      tpu.wait_indirect_dma semaphore(%arg20 : memref<!tpu.dma_semaphore, #tpu.memory_space<semaphore_mem>>) src(%dma_wait3A_80 : memref<100352xf32, #tpu.memory_space<vmem_shared>>) dst(%arg16 : memref<4000xf32, #tpu.memory_space<vmem>>)
      %dma_wait3A_81 = arith.constant 0 : i32
      %dma_wait3A_82 = tpu.memref_slice %arg7[%dma_wait3A_81] : memref<100352xf32, #tpu.memory_space<vmem_shared>> -> memref<100352xf32, #tpu.memory_space<vmem_shared>>
      tpu.wait_indirect_dma semaphore(%arg20 : memref<!tpu.dma_semaphore, #tpu.memory_space<semaphore_mem>>) src(%dma_wait3A_82 : memref<100352xf32, #tpu.memory_space<vmem_shared>>) dst(%arg17 : memref<4000xf32, #tpu.memory_space<vmem>>)
      %dma_start3A_83 = arith.constant 0 : i32
      %dma_start3A_84 = tpu.memref_slice %arg8[%dma_start3A_83] : memref<100352xf32, #tpu.memory_space<vmem_shared>> -> memref<100352xf32, #tpu.memory_space<vmem_shared>>
      tpu.enqueue_indirect_dma source(%arg16 : memref<4000xf32, #tpu.memory_space<vmem>>) target(%dma_start3A_84 : memref<100352xf32, #tpu.memory_space<vmem_shared>>) offsets(%arg13 : memref<4000xi32, #tpu.memory_space<vmem>>) semaphore(%arg21 : memref<!tpu.dma_semaphore, #tpu.memory_space<semaphore_mem>>) {add = true}
      %dma_start3A_85 = arith.constant 0 : i32
      %dma_start3A_86 = tpu.memref_slice %arg9[%dma_start3A_85] : memref<100352xf32, #tpu.memory_space<vmem_shared>> -> memref<100352xf32, #tpu.memory_space<vmem_shared>>
      tpu.enqueue_indirect_dma source(%arg17 : memref<4000xf32, #tpu.memory_space<vmem>>) target(%dma_start3A_86 : memref<100352xf32, #tpu.memory_space<vmem_shared>>) offsets(%arg13 : memref<4000xi32, #tpu.memory_space<vmem>>) semaphore(%arg21 : memref<!tpu.dma_semaphore, #tpu.memory_space<semaphore_mem>>) {add = true}
    }
    %scan3A_19 = arith.constant 25 : i32
    %dma_wait3A = arith.constant 0 : i32
    %dma_wait3A_20 = tpu.memref_slice %arg8[%dma_wait3A] : memref<100352xf32, #tpu.memory_space<vmem_shared>> -> memref<100352xf32, #tpu.memory_space<vmem_shared>>
    tpu.wait_indirect_dma semaphore(%arg21 : memref<!tpu.dma_semaphore, #tpu.memory_space<semaphore_mem>>) src(%arg16 : memref<4000xf32, #tpu.memory_space<vmem>>) dst(%dma_wait3A_20 : memref<100352xf32, #tpu.memory_space<vmem_shared>>)
    %dma_wait3A_21 = arith.constant 0 : i32
    %dma_wait3A_22 = tpu.memref_slice %arg9[%dma_wait3A_21] : memref<100352xf32, #tpu.memory_space<vmem_shared>> -> memref<100352xf32, #tpu.memory_space<vmem_shared>>
    tpu.wait_indirect_dma semaphore(%arg21 : memref<!tpu.dma_semaphore, #tpu.memory_space<semaphore_mem>>) src(%arg17 : memref<4000xf32, #tpu.memory_space<vmem>>) dst(%dma_wait3A_22 : memref<100352xf32, #tpu.memory_space<vmem_shared>>)
    %barrier3A_23 = arith.constant 0 : index
    tpu.barrier barrier_id(%barrier3A_23)
    %run_scoped3A_24 = arith.constant 0 : i32
    "tpu.region"() ({
      %run_scoped3A_26 = tpu.sem_alloc : memref<!tpu.dma_semaphore, #tpu.memory_space<semaphore_mem>>
      %dma_start3A_27 = tpu.memref_slice %arg5[%arg0, %run_scoped3A_24, %mul3A_0] : memref<2x2x100352xf32, #tpu.memory_space<hbm>> -> memref<1x1x6272xf32, #tpu.memory_space<hbm>>
      %dma_start3A_28 = tpu.memref_squeeze %dma_start3A_27 : memref<1x1x6272xf32, #tpu.memory_space<hbm>> -> memref<6272xf32, #tpu.memory_space<hbm>>
      %dma_start3A_29 = tpu.memref_slice %arg8[%mul3A_0] : memref<100352xf32, #tpu.memory_space<vmem_shared>> -> memref<6272xf32, #tpu.memory_space<vmem_shared>>
      tpu.enqueue_dma source(%dma_start3A_29 : memref<6272xf32, #tpu.memory_space<vmem_shared>>) target(%dma_start3A_28 : memref<6272xf32, #tpu.memory_space<hbm>>) target_semaphore(%run_scoped3A_26 : memref<!tpu.dma_semaphore, #tpu.memory_space<semaphore_mem>>)
      %dma_wait3A_30 = tpu.memref_slice %arg5[%arg0, %run_scoped3A_24, %mul3A_0] : memref<2x2x100352xf32, #tpu.memory_space<hbm>> -> memref<1x1x6272xf32, #tpu.memory_space<hbm>>
      %dma_wait3A_31 = tpu.memref_squeeze %dma_wait3A_30 : memref<1x1x6272xf32, #tpu.memory_space<hbm>> -> memref<6272xf32, #tpu.memory_space<hbm>>
      %dma_wait3A_32 = tpu.memref_slice %arg8[%mul3A_0] : memref<100352xf32, #tpu.memory_space<vmem_shared>> -> memref<6272xf32, #tpu.memory_space<vmem_shared>>
      tpu.wait_dma2 semaphore(%run_scoped3A_26 : memref<!tpu.dma_semaphore, #tpu.memory_space<semaphore_mem>>) src(%dma_wait3A_32 : memref<6272xf32, #tpu.memory_space<vmem_shared>>) dst(%dma_wait3A_31 : memref<6272xf32, #tpu.memory_space<hbm>>)
      tpu.yield
    }) : () -> ()
    %run_scoped3A_25 = arith.constant 1 : i32
    "tpu.region"() ({
      %run_scoped3A_26 = tpu.sem_alloc : memref<!tpu.dma_semaphore, #tpu.memory_space<semaphore_mem>>
      %dma_start3A_27 = tpu.memref_slice %arg5[%arg0, %run_scoped3A_25, %mul3A_0] : memref<2x2x100352xf32, #tpu.memory_space<hbm>> -> memref<1x1x6272xf32, #tpu.memory_space<hbm>>
      %dma_start3A_28 = tpu.memref_squeeze %dma_start3A_27 : memref<1x1x6272xf32, #tpu.memory_space<hbm>> -> memref<6272xf32, #tpu.memory_space<hbm>>
      %dma_start3A_29 = tpu.memref_slice %arg9[%mul3A_0] : memref<100352xf32, #tpu.memory_space<vmem_shared>> -> memref<6272xf32, #tpu.memory_space<vmem_shared>>
      tpu.enqueue_dma source(%dma_start3A_29 : memref<6272xf32, #tpu.memory_space<vmem_shared>>) target(%dma_start3A_28 : memref<6272xf32, #tpu.memory_space<hbm>>) target_semaphore(%run_scoped3A_26 : memref<!tpu.dma_semaphore, #tpu.memory_space<semaphore_mem>>)
      %dma_wait3A_30 = tpu.memref_slice %arg5[%arg0, %run_scoped3A_25, %mul3A_0] : memref<2x2x100352xf32, #tpu.memory_space<hbm>> -> memref<1x1x6272xf32, #tpu.memory_space<hbm>>
      %dma_wait3A_31 = tpu.memref_squeeze %dma_wait3A_30 : memref<1x1x6272xf32, #tpu.memory_space<hbm>> -> memref<6272xf32, #tpu.memory_space<hbm>>
      %dma_wait3A_32 = tpu.memref_slice %arg9[%mul3A_0] : memref<100352xf32, #tpu.memory_space<vmem_shared>> -> memref<6272xf32, #tpu.memory_space<vmem_shared>>
      tpu.wait_dma2 semaphore(%run_scoped3A_26 : memref<!tpu.dma_semaphore, #tpu.memory_space<semaphore_mem>>) src(%dma_wait3A_32 : memref<6272xf32, #tpu.memory_space<vmem_shared>>) dst(%dma_wait3A_31 : memref<6272xf32, #tpu.memory_space<hbm>>)
      tpu.yield
    }) : () -> ()
    return
  }
}

#map = affine_map<(d0, d1) -> (0)>
#map1 = affine_map<(d0, d1) -> (0, 0)>
module attributes {stable_mosaic.version = 14 : i64} {
  func.func @_sc_degrees(%arg0: i32, %arg1: i32, %arg2: memref<6400000xi32, #tpu.memory_space<hbm>>, %arg3: memref<6400000xi32, #tpu.memory_space<hbm>>, %arg4: memref<2x100352xf32, #tpu.memory_space<hbm>>, %arg5: memref<2x100352xf32, #tpu.memory_space<hbm>>, %arg6: memref<100352xf32, #tpu.memory_space<vmem_shared>>, %arg7: memref<100352xf32, #tpu.memory_space<vmem_shared>>, %arg8: memref<4000xi32, #tpu.memory_space<vmem>>, %arg9: memref<4000xi32, #tpu.memory_space<vmem>>, %arg10: memref<4000xi32, #tpu.memory_space<vmem>>, %arg11: memref<4000xi32, #tpu.memory_space<vmem>>, %arg12: memref<4000xf32, #tpu.memory_space<vmem>>, %arg13: memref<6272xf32, #tpu.memory_space<vmem>>, %arg14: memref<!tpu.dma_semaphore, #tpu.memory_space<semaphore_mem>>, %arg15: memref<!tpu.dma_semaphore, #tpu.memory_space<semaphore_mem>>) attributes {dimension_semantics = [#tpu.dimension_semantics<core_parallel>, #tpu.dimension_semantics<subcore_parallel>], iteration_bounds = array<i64: 2, 16>, scalar_prefetch = 0 : i64, scratch_operands = 10 : i64, tpu.core_type = #tpu.core_type<sc_vector_subcore>, window_params = [{transform_indices = #map}, {transform_indices = #map}, {transform_indices = #map1}, {transform_indices = #map1}]} {
    %mul3A = arith.constant 6272 : i32
    %mul3A_0 = arith.muli %arg1, %mul3A : i32
    %scan3A = arith.constant 0 : i32
    %scan3A_1 = arith.constant 0 : i32
    %scan3A_2 = arith.constant 392 : i32
    %scan3A_3 = arith.addi %scan3A_1, %scan3A_2 : i32
    %scan3A_4 = arith.constant 1 : i32
    scf.for %scan3A_29 = %scan3A_1 to %scan3A_3 step %scan3A_4  : i32 {
      %broadcast_in_dim3A = arith.constant 0.000000e+00 : f32
      %broadcast_in_dim3A_30 = vector.broadcast %broadcast_in_dim3A : f32 to vector<16xf32>
      %mul3A_31 = arith.constant 16 : i32
      %mul3A_32 = arith.muli %scan3A_29, %mul3A_31 : i32
      %swap3A = arith.index_cast %mul3A_32 : i32 to index
      %swap3A_33 = tpu.vector_load %arg13[%swap3A] {strides = array<i32>} : memref<6272xf32, #tpu.memory_space<vmem>>, vector<16xf32>,
      %swap3A_34 = vector.shape_cast %swap3A_33 : vector<16xf32> to vector<16xf32>
      %swap3A_35 = vector.shape_cast %broadcast_in_dim3A_30 : vector<16xf32> to vector<16xf32>
      tpu.vector_store %arg13[%swap3A], %swap3A_35 {strides = array<i32>} : memref<6272xf32, #tpu.memory_space<vmem>>, vector<16xf32>,
    }
    %scan3A_5 = arith.constant 392 : i32
    %scan3A_6 = arith.constant 0 : i32
    %scan3A_7 = arith.constant 0 : i32
    %scan3A_8 = arith.constant 250 : i32
    %scan3A_9 = arith.addi %scan3A_7, %scan3A_8 : i32
    %scan3A_10 = arith.constant 1 : i32
    scf.for %scan3A_29 = %scan3A_7 to %scan3A_9 step %scan3A_10  : i32 {
      %broadcast_in_dim3A = arith.constant 1.000000e+00 : f32
      %broadcast_in_dim3A_30 = vector.broadcast %broadcast_in_dim3A : f32 to vector<16xf32>
      %mul3A_31 = arith.constant 16 : i32
      %mul3A_32 = arith.muli %scan3A_29, %mul3A_31 : i32
      %swap3A = arith.index_cast %mul3A_32 : i32 to index
      %swap3A_33 = tpu.vector_load %arg12[%swap3A] {strides = array<i32>} : memref<4000xf32, #tpu.memory_space<vmem>>, vector<16xf32>,
      %swap3A_34 = vector.shape_cast %swap3A_33 : vector<16xf32> to vector<16xf32>
      %swap3A_35 = vector.shape_cast %broadcast_in_dim3A_30 : vector<16xf32> to vector<16xf32>
      tpu.vector_store %arg12[%swap3A], %swap3A_35 {strides = array<i32>} : memref<4000xf32, #tpu.memory_space<vmem>>, vector<16xf32>,
    }
    %scan3A_11 = arith.constant 250 : i32
    "tpu.region"() ({
      %run_scoped3A = tpu.sem_alloc : memref<!tpu.dma_semaphore, #tpu.memory_space<semaphore_mem>>
      %dma_start3A_29 = tpu.memref_slice %arg6[%mul3A_0] : memref<100352xf32, #tpu.memory_space<vmem_shared>> -> memref<6272xf32, #tpu.memory_space<vmem_shared>>
      %dma_start3A_30 = tpu.memref_slice %arg6[%mul3A_0] : memref<100352xf32, #tpu.memory_space<vmem_shared>> -> memref<6272xf32, #tpu.memory_space<vmem_shared>>
      tpu.enqueue_dma source(%arg13 : memref<6272xf32, #tpu.memory_space<vmem>>) target(%dma_start3A_30 : memref<6272xf32, #tpu.memory_space<vmem_shared>>) target_semaphore(%run_scoped3A : memref<!tpu.dma_semaphore, #tpu.memory_space<semaphore_mem>>)
      %dma_wait3A_31 = tpu.memref_slice %arg6[%mul3A_0] : memref<100352xf32, #tpu.memory_space<vmem_shared>> -> memref<6272xf32, #tpu.memory_space<vmem_shared>>
      %dma_wait3A_32 = tpu.memref_slice %arg6[%mul3A_0] : memref<100352xf32, #tpu.memory_space<vmem_shared>> -> memref<6272xf32, #tpu.memory_space<vmem_shared>>
      tpu.wait_dma2 semaphore(%run_scoped3A : memref<!tpu.dma_semaphore, #tpu.memory_space<semaphore_mem>>) src(%arg13 : memref<6272xf32, #tpu.memory_space<vmem>>) dst(%dma_wait3A_32 : memref<6272xf32, #tpu.memory_space<vmem_shared>>)
      tpu.yield
    }) : () -> ()
    "tpu.region"() ({
      %run_scoped3A = tpu.sem_alloc : memref<!tpu.dma_semaphore, #tpu.memory_space<semaphore_mem>>
      %dma_start3A_29 = tpu.memref_slice %arg7[%mul3A_0] : memref<100352xf32, #tpu.memory_space<vmem_shared>> -> memref<6272xf32, #tpu.memory_space<vmem_shared>>
      %dma_start3A_30 = tpu.memref_slice %arg7[%mul3A_0] : memref<100352xf32, #tpu.memory_space<vmem_shared>> -> memref<6272xf32, #tpu.memory_space<vmem_shared>>
      tpu.enqueue_dma source(%arg13 : memref<6272xf32, #tpu.memory_space<vmem>>) target(%dma_start3A_30 : memref<6272xf32, #tpu.memory_space<vmem_shared>>) target_semaphore(%run_scoped3A : memref<!tpu.dma_semaphore, #tpu.memory_space<semaphore_mem>>)
      %dma_wait3A_31 = tpu.memref_slice %arg7[%mul3A_0] : memref<100352xf32, #tpu.memory_space<vmem_shared>> -> memref<6272xf32, #tpu.memory_space<vmem_shared>>
      %dma_wait3A_32 = tpu.memref_slice %arg7[%mul3A_0] : memref<100352xf32, #tpu.memory_space<vmem_shared>> -> memref<6272xf32, #tpu.memory_space<vmem_shared>>
      tpu.wait_dma2 semaphore(%run_scoped3A : memref<!tpu.dma_semaphore, #tpu.memory_space<semaphore_mem>>) src(%arg13 : memref<6272xf32, #tpu.memory_space<vmem>>) dst(%dma_wait3A_32 : memref<6272xf32, #tpu.memory_space<vmem_shared>>)
      tpu.yield
    }) : () -> ()
    %barrier3A = arith.constant 0 : index
    tpu.barrier barrier_id(%barrier3A)
    %mul3A_12 = arith.constant 16 : i32
    %mul3A_13 = arith.muli %arg0, %mul3A_12 : i32
    %add3A = arith.addi %mul3A_13, %arg1 : i32
    %mul3A_14 = arith.constant 200000 : i32
    %mul3A_15 = arith.muli %add3A, %mul3A_14 : i32
    %dma_start3A = tpu.memref_slice %arg2[%mul3A_15] : memref<6400000xi32, #tpu.memory_space<hbm>> -> memref<4000xi32, #tpu.memory_space<hbm>>
    %dma_start3A_16 = tpu.memref_slice %arg2[%mul3A_15] : memref<6400000xi32, #tpu.memory_space<hbm>> -> memref<4000xi32, #tpu.memory_space<hbm>>
    tpu.enqueue_dma source(%dma_start3A_16 : memref<4000xi32, #tpu.memory_space<hbm>>) target(%arg8 : memref<4000xi32, #tpu.memory_space<vmem>>) target_semaphore(%arg14 : memref<!tpu.dma_semaphore, #tpu.memory_space<semaphore_mem>>)
    %dma_start3A_17 = tpu.memref_slice %arg3[%mul3A_15] : memref<6400000xi32, #tpu.memory_space<hbm>> -> memref<4000xi32, #tpu.memory_space<hbm>>
    %dma_start3A_18 = tpu.memref_slice %arg3[%mul3A_15] : memref<6400000xi32, #tpu.memory_space<hbm>> -> memref<4000xi32, #tpu.memory_space<hbm>>
    tpu.enqueue_dma source(%dma_start3A_18 : memref<4000xi32, #tpu.memory_space<hbm>>) target(%arg9 : memref<4000xi32, #tpu.memory_space<vmem>>) target_semaphore(%arg14 : memref<!tpu.dma_semaphore, #tpu.memory_space<semaphore_mem>>)
    %scan3A_19 = arith.constant 0 : i32
    %scan3A_20 = arith.constant 0 : i32
    %scan3A_21 = arith.constant 25 : i32
    %scan3A_22 = arith.addi %scan3A_20, %scan3A_21 : i32
    %scan3A_23 = arith.constant 1 : i32
    scf.for %scan3A_29 = %scan3A_20 to %scan3A_22 step %scan3A_23  : i32 {
      %mul3A_30 = arith.constant 2 : i32
      %mul3A_31 = arith.muli %mul3A_30, %scan3A_29 : i32
      %mul3A_32 = arith.constant 4000 : i32
      %mul3A_33 = arith.muli %mul3A_31, %mul3A_32 : i32
      %add3A_34 = arith.addi %mul3A_15, %mul3A_33 : i32
      %dma_wait3A_35 = tpu.memref_slice %arg2[%add3A_34] : memref<6400000xi32, #tpu.memory_space<hbm>> -> memref<4000xi32, #tpu.memory_space<hbm>>
      %dma_wait3A_36 = tpu.memref_slice %arg2[%add3A_34] : memref<6400000xi32, #tpu.memory_space<hbm>> -> memref<4000xi32, #tpu.memory_space<hbm>>
      tpu.wait_dma2 semaphore(%arg14 : memref<!tpu.dma_semaphore, #tpu.memory_space<semaphore_mem>>) src(%dma_wait3A_36 : memref<4000xi32, #tpu.memory_space<hbm>>) dst(%arg8 : memref<4000xi32, #tpu.memory_space<vmem>>)
      %dma_wait3A_37 = tpu.memref_slice %arg3[%add3A_34] : memref<6400000xi32, #tpu.memory_space<hbm>> -> memref<4000xi32, #tpu.memory_space<hbm>>
      %dma_wait3A_38 = tpu.memref_slice %arg3[%add3A_34] : memref<6400000xi32, #tpu.memory_space<hbm>> -> memref<4000xi32, #tpu.memory_space<hbm>>
      tpu.wait_dma2 semaphore(%arg14 : memref<!tpu.dma_semaphore, #tpu.memory_space<semaphore_mem>>) src(%dma_wait3A_38 : memref<4000xi32, #tpu.memory_space<hbm>>) dst(%arg9 : memref<4000xi32, #tpu.memory_space<vmem>>)
      %ge3A = arith.constant 1 : i32
      %ge3A_39 = arith.cmpi sge, %mul3A_31, %ge3A : i32
      %convert_element_type3A = arith.extui %ge3A_39 : i1 to i32
      %cond3A = arith.constant 0 : i32
      %cond3A_40 = arith.cmpi ne, %convert_element_type3A, %cond3A : i32
      scf.if %cond3A_40 {
        %dma_wait3A_74 = arith.constant 0 : i32
        %dma_wait3A_75 = tpu.memref_slice %arg6[%dma_wait3A_74] : memref<100352xf32, #tpu.memory_space<vmem_shared>> -> memref<100352xf32, #tpu.memory_space<vmem_shared>>
        tpu.wait_indirect_dma semaphore(%arg15 : memref<!tpu.dma_semaphore, #tpu.memory_space<semaphore_mem>>) src(%arg12 : memref<4000xf32, #tpu.memory_space<vmem>>) dst(%dma_wait3A_75 : memref<100352xf32, #tpu.memory_space<vmem_shared>>)
        %dma_wait3A_76 = arith.constant 0 : i32
        %dma_wait3A_77 = tpu.memref_slice %arg7[%dma_wait3A_76] : memref<100352xf32, #tpu.memory_space<vmem_shared>> -> memref<100352xf32, #tpu.memory_space<vmem_shared>>
        tpu.wait_indirect_dma semaphore(%arg15 : memref<!tpu.dma_semaphore, #tpu.memory_space<semaphore_mem>>) src(%arg12 : memref<4000xf32, #tpu.memory_space<vmem>>) dst(%dma_wait3A_77 : memref<100352xf32, #tpu.memory_space<vmem_shared>>)
      } else {
      }
      %lt3A = arith.constant 49 : i32
      %lt3A_41 = arith.cmpi slt, %mul3A_31, %lt3A : i32
      %convert_element_type3A_42 = arith.extui %lt3A_41 : i1 to i32
      %cond3A_43 = arith.constant 0 : i32
      %cond3A_44 = arith.cmpi ne, %convert_element_type3A_42, %cond3A_43 : i32
      scf.if %cond3A_44 {
        %add3A_74 = arith.constant 1 : i32
        %add3A_75 = arith.addi %mul3A_31, %add3A_74 : i32
        %mul3A_76 = arith.constant 4000 : i32
        %mul3A_77 = arith.muli %add3A_75, %mul3A_76 : i32
        %add3A_78 = arith.addi %mul3A_15, %mul3A_77 : i32
        %dma_start3A_79 = tpu.memref_slice %arg2[%add3A_78] : memref<6400000xi32, #tpu.memory_space<hbm>> -> memref<4000xi32, #tpu.memory_space<hbm>>
        %dma_start3A_80 = tpu.memref_slice %arg2[%add3A_78] : memref<6400000xi32, #tpu.memory_space<hbm>> -> memref<4000xi32, #tpu.memory_space<hbm>>
        tpu.enqueue_dma source(%dma_start3A_80 : memref<4000xi32, #tpu.memory_space<hbm>>) target(%arg10 : memref<4000xi32, #tpu.memory_space<vmem>>) target_semaphore(%arg14 : memref<!tpu.dma_semaphore, #tpu.memory_space<semaphore_mem>>)
        %dma_start3A_81 = tpu.memref_slice %arg3[%add3A_78] : memref<6400000xi32, #tpu.memory_space<hbm>> -> memref<4000xi32, #tpu.memory_space<hbm>>
        %dma_start3A_82 = tpu.memref_slice %arg3[%add3A_78] : memref<6400000xi32, #tpu.memory_space<hbm>> -> memref<4000xi32, #tpu.memory_space<hbm>>
        tpu.enqueue_dma source(%dma_start3A_82 : memref<4000xi32, #tpu.memory_space<hbm>>) target(%arg11 : memref<4000xi32, #tpu.memory_space<vmem>>) target_semaphore(%arg14 : memref<!tpu.dma_semaphore, #tpu.memory_space<semaphore_mem>>)
      } else {
      }
      %dma_start3A_45 = arith.constant 0 : i32
      %dma_start3A_46 = tpu.memref_slice %arg6[%dma_start3A_45] : memref<100352xf32, #tpu.memory_space<vmem_shared>> -> memref<100352xf32, #tpu.memory_space<vmem_shared>>
      tpu.enqueue_indirect_dma source(%arg12 : memref<4000xf32, #tpu.memory_space<vmem>>) target(%dma_start3A_46 : memref<100352xf32, #tpu.memory_space<vmem_shared>>) offsets(%arg8 : memref<4000xi32, #tpu.memory_space<vmem>>) semaphore(%arg15 : memref<!tpu.dma_semaphore, #tpu.memory_space<semaphore_mem>>) {add = true}
      %dma_start3A_47 = arith.constant 0 : i32
      %dma_start3A_48 = tpu.memref_slice %arg7[%dma_start3A_47] : memref<100352xf32, #tpu.memory_space<vmem_shared>> -> memref<100352xf32, #tpu.memory_space<vmem_shared>>
      tpu.enqueue_indirect_dma source(%arg12 : memref<4000xf32, #tpu.memory_space<vmem>>) target(%dma_start3A_48 : memref<100352xf32, #tpu.memory_space<vmem_shared>>) offsets(%arg9 : memref<4000xi32, #tpu.memory_space<vmem>>) semaphore(%arg15 : memref<!tpu.dma_semaphore, #tpu.memory_space<semaphore_mem>>) {add = true}
      %mul3A_49 = arith.constant 2 : i32
      %mul3A_50 = arith.muli %mul3A_49, %scan3A_29 : i32
      %add3A_51 = arith.constant 1 : i32
      %add3A_52 = arith.addi %mul3A_50, %add3A_51 : i32
      %mul3A_53 = arith.constant 4000 : i32
      %mul3A_54 = arith.muli %add3A_52, %mul3A_53 : i32
      %add3A_55 = arith.addi %mul3A_15, %mul3A_54 : i32
      %dma_wait3A_56 = tpu.memref_slice %arg2[%add3A_55] : memref<6400000xi32, #tpu.memory_space<hbm>> -> memref<4000xi32, #tpu.memory_space<hbm>>
      %dma_wait3A_57 = tpu.memref_slice %arg2[%add3A_55] : memref<6400000xi32, #tpu.memory_space<hbm>> -> memref<4000xi32, #tpu.memory_space<hbm>>
      tpu.wait_dma2 semaphore(%arg14 : memref<!tpu.dma_semaphore, #tpu.memory_space<semaphore_mem>>) src(%dma_wait3A_57 : memref<4000xi32, #tpu.memory_space<hbm>>) dst(%arg10 : memref<4000xi32, #tpu.memory_space<vmem>>)
      %dma_wait3A_58 = tpu.memref_slice %arg3[%add3A_55] : memref<6400000xi32, #tpu.memory_space<hbm>> -> memref<4000xi32, #tpu.memory_space<hbm>>
      %dma_wait3A_59 = tpu.memref_slice %arg3[%add3A_55] : memref<6400000xi32, #tpu.memory_space<hbm>> -> memref<4000xi32, #tpu.memory_space<hbm>>
      tpu.wait_dma2 semaphore(%arg14 : memref<!tpu.dma_semaphore, #tpu.memory_space<semaphore_mem>>) src(%dma_wait3A_59 : memref<4000xi32, #tpu.memory_space<hbm>>) dst(%arg11 : memref<4000xi32, #tpu.memory_space<vmem>>)
      %ge3A_60 = arith.constant 1 : i32
      %ge3A_61 = arith.cmpi sge, %add3A_52, %ge3A_60 : i32
      %convert_element_type3A_62 = arith.extui %ge3A_61 : i1 to i32
      %cond3A_63 = arith.constant 0 : i32
      %cond3A_64 = arith.cmpi ne, %convert_element_type3A_62, %cond3A_63 : i32
      scf.if %cond3A_64 {
        %dma_wait3A_74 = arith.constant 0 : i32
        %dma_wait3A_75 = tpu.memref_slice %arg6[%dma_wait3A_74] : memref<100352xf32, #tpu.memory_space<vmem_shared>> -> memref<100352xf32, #tpu.memory_space<vmem_shared>>
        tpu.wait_indirect_dma semaphore(%arg15 : memref<!tpu.dma_semaphore, #tpu.memory_space<semaphore_mem>>) src(%arg12 : memref<4000xf32, #tpu.memory_space<vmem>>) dst(%dma_wait3A_75 : memref<100352xf32, #tpu.memory_space<vmem_shared>>)
        %dma_wait3A_76 = arith.constant 0 : i32
        %dma_wait3A_77 = tpu.memref_slice %arg7[%dma_wait3A_76] : memref<100352xf32, #tpu.memory_space<vmem_shared>> -> memref<100352xf32, #tpu.memory_space<vmem_shared>>
        tpu.wait_indirect_dma semaphore(%arg15 : memref<!tpu.dma_semaphore, #tpu.memory_space<semaphore_mem>>) src(%arg12 : memref<4000xf32, #tpu.memory_space<vmem>>) dst(%dma_wait3A_77 : memref<100352xf32, #tpu.memory_space<vmem_shared>>)
      } else {
      }
      %lt3A_65 = arith.constant 49 : i32
      %lt3A_66 = arith.cmpi slt, %add3A_52, %lt3A_65 : i32
      %convert_element_type3A_67 = arith.extui %lt3A_66 : i1 to i32
      %cond3A_68 = arith.constant 0 : i32
      %cond3A_69 = arith.cmpi ne, %convert_element_type3A_67, %cond3A_68 : i32
      scf.if %cond3A_69 {
        %add3A_74 = arith.constant 1 : i32
        %add3A_75 = arith.addi %add3A_52, %add3A_74 : i32
        %mul3A_76 = arith.constant 4000 : i32
        %mul3A_77 = arith.muli %add3A_75, %mul3A_76 : i32
        %add3A_78 = arith.addi %mul3A_15, %mul3A_77 : i32
        %dma_start3A_79 = tpu.memref_slice %arg2[%add3A_78] : memref<6400000xi32, #tpu.memory_space<hbm>> -> memref<4000xi32, #tpu.memory_space<hbm>>
        %dma_start3A_80 = tpu.memref_slice %arg2[%add3A_78] : memref<6400000xi32, #tpu.memory_space<hbm>> -> memref<4000xi32, #tpu.memory_space<hbm>>
        tpu.enqueue_dma source(%dma_start3A_80 : memref<4000xi32, #tpu.memory_space<hbm>>) target(%arg8 : memref<4000xi32, #tpu.memory_space<vmem>>) target_semaphore(%arg14 : memref<!tpu.dma_semaphore, #tpu.memory_space<semaphore_mem>>)
        %dma_start3A_81 = tpu.memref_slice %arg3[%add3A_78] : memref<6400000xi32, #tpu.memory_space<hbm>> -> memref<4000xi32, #tpu.memory_space<hbm>>
        %dma_start3A_82 = tpu.memref_slice %arg3[%add3A_78] : memref<6400000xi32, #tpu.memory_space<hbm>> -> memref<4000xi32, #tpu.memory_space<hbm>>
        tpu.enqueue_dma source(%dma_start3A_82 : memref<4000xi32, #tpu.memory_space<hbm>>) target(%arg9 : memref<4000xi32, #tpu.memory_space<vmem>>) target_semaphore(%arg14 : memref<!tpu.dma_semaphore, #tpu.memory_space<semaphore_mem>>)
      } else {
      }
      %dma_start3A_70 = arith.constant 0 : i32
      %dma_start3A_71 = tpu.memref_slice %arg6[%dma_start3A_70] : memref<100352xf32, #tpu.memory_space<vmem_shared>> -> memref<100352xf32, #tpu.memory_space<vmem_shared>>
      tpu.enqueue_indirect_dma source(%arg12 : memref<4000xf32, #tpu.memory_space<vmem>>) target(%dma_start3A_71 : memref<100352xf32, #tpu.memory_space<vmem_shared>>) offsets(%arg10 : memref<4000xi32, #tpu.memory_space<vmem>>) semaphore(%arg15 : memref<!tpu.dma_semaphore, #tpu.memory_space<semaphore_mem>>) {add = true}
      %dma_start3A_72 = arith.constant 0 : i32
      %dma_start3A_73 = tpu.memref_slice %arg7[%dma_start3A_72] : memref<100352xf32, #tpu.memory_space<vmem_shared>> -> memref<100352xf32, #tpu.memory_space<vmem_shared>>
      tpu.enqueue_indirect_dma source(%arg12 : memref<4000xf32, #tpu.memory_space<vmem>>) target(%dma_start3A_73 : memref<100352xf32, #tpu.memory_space<vmem_shared>>) offsets(%arg11 : memref<4000xi32, #tpu.memory_space<vmem>>) semaphore(%arg15 : memref<!tpu.dma_semaphore, #tpu.memory_space<semaphore_mem>>) {add = true}
    }
    %scan3A_24 = arith.constant 25 : i32
    %dma_wait3A = arith.constant 0 : i32
    %dma_wait3A_25 = tpu.memref_slice %arg6[%dma_wait3A] : memref<100352xf32, #tpu.memory_space<vmem_shared>> -> memref<100352xf32, #tpu.memory_space<vmem_shared>>
    tpu.wait_indirect_dma semaphore(%arg15 : memref<!tpu.dma_semaphore, #tpu.memory_space<semaphore_mem>>) src(%arg12 : memref<4000xf32, #tpu.memory_space<vmem>>) dst(%dma_wait3A_25 : memref<100352xf32, #tpu.memory_space<vmem_shared>>)
    %dma_wait3A_26 = arith.constant 0 : i32
    %dma_wait3A_27 = tpu.memref_slice %arg7[%dma_wait3A_26] : memref<100352xf32, #tpu.memory_space<vmem_shared>> -> memref<100352xf32, #tpu.memory_space<vmem_shared>>
    tpu.wait_indirect_dma semaphore(%arg15 : memref<!tpu.dma_semaphore, #tpu.memory_space<semaphore_mem>>) src(%arg12 : memref<4000xf32, #tpu.memory_space<vmem>>) dst(%dma_wait3A_27 : memref<100352xf32, #tpu.memory_space<vmem_shared>>)
    %barrier3A_28 = arith.constant 0 : index
    tpu.barrier barrier_id(%barrier3A_28)
    "tpu.region"() ({
      %run_scoped3A = tpu.sem_alloc : memref<!tpu.dma_semaphore, #tpu.memory_space<semaphore_mem>>
      %dma_start3A_29 = tpu.memref_slice %arg4[%arg0, %mul3A_0] : memref<2x100352xf32, #tpu.memory_space<hbm>> -> memref<1x6272xf32, #tpu.memory_space<hbm>>
      %dma_start3A_30 = tpu.memref_squeeze %dma_start3A_29 : memref<1x6272xf32, #tpu.memory_space<hbm>> -> memref<6272xf32, #tpu.memory_space<hbm>>
      %dma_start3A_31 = tpu.memref_slice %arg6[%mul3A_0] : memref<100352xf32, #tpu.memory_space<vmem_shared>> -> memref<6272xf32, #tpu.memory_space<vmem_shared>>
      tpu.enqueue_dma source(%dma_start3A_31 : memref<6272xf32, #tpu.memory_space<vmem_shared>>) target(%dma_start3A_30 : memref<6272xf32, #tpu.memory_space<hbm>>) target_semaphore(%run_scoped3A : memref<!tpu.dma_semaphore, #tpu.memory_space<semaphore_mem>>)
      %dma_wait3A_32 = tpu.memref_slice %arg4[%arg0, %mul3A_0] : memref<2x100352xf32, #tpu.memory_space<hbm>> -> memref<1x6272xf32, #tpu.memory_space<hbm>>
      %dma_wait3A_33 = tpu.memref_squeeze %dma_wait3A_32 : memref<1x6272xf32, #tpu.memory_space<hbm>> -> memref<6272xf32, #tpu.memory_space<hbm>>
      %dma_wait3A_34 = tpu.memref_slice %arg6[%mul3A_0] : memref<100352xf32, #tpu.memory_space<vmem_shared>> -> memref<6272xf32, #tpu.memory_space<vmem_shared>>
      tpu.wait_dma2 semaphore(%run_scoped3A : memref<!tpu.dma_semaphore, #tpu.memory_space<semaphore_mem>>) src(%dma_wait3A_34 : memref<6272xf32, #tpu.memory_space<vmem_shared>>) dst(%dma_wait3A_33 : memref<6272xf32, #tpu.memory_space<hbm>>)
      tpu.yield
    }) : () -> ()
    "tpu.region"() ({
      %run_scoped3A = tpu.sem_alloc : memref<!tpu.dma_semaphore, #tpu.memory_space<semaphore_mem>>
      %dma_start3A_29 = tpu.memref_slice %arg5[%arg0, %mul3A_0] : memref<2x100352xf32, #tpu.memory_space<hbm>> -> memref<1x6272xf32, #tpu.memory_space<hbm>>
      %dma_start3A_30 = tpu.memref_squeeze %dma_start3A_29 : memref<1x6272xf32, #tpu.memory_space<hbm>> -> memref<6272xf32, #tpu.memory_space<hbm>>
      %dma_start3A_31 = tpu.memref_slice %arg7[%mul3A_0] : memref<100352xf32, #tpu.memory_space<vmem_shared>> -> memref<6272xf32, #tpu.memory_space<vmem_shared>>
      tpu.enqueue_dma source(%dma_start3A_31 : memref<6272xf32, #tpu.memory_space<vmem_shared>>) target(%dma_start3A_30 : memref<6272xf32, #tpu.memory_space<hbm>>) target_semaphore(%run_scoped3A : memref<!tpu.dma_semaphore, #tpu.memory_space<semaphore_mem>>)
      %dma_wait3A_32 = tpu.memref_slice %arg5[%arg0, %mul3A_0] : memref<2x100352xf32, #tpu.memory_space<hbm>> -> memref<1x6272xf32, #tpu.memory_space<hbm>>
      %dma_wait3A_33 = tpu.memref_squeeze %dma_wait3A_32 : memref<1x6272xf32, #tpu.memory_space<hbm>> -> memref<6272xf32, #tpu.memory_space<hbm>>
      %dma_wait3A_34 = tpu.memref_slice %arg7[%mul3A_0] : memref<100352xf32, #tpu.memory_space<vmem_shared>> -> memref<6272xf32, #tpu.memory_space<vmem_shared>>
      tpu.wait_dma2 semaphore(%run_scoped3A : memref<!tpu.dma_semaphore, #tpu.memory_space<semaphore_mem>>) src(%dma_wait3A_34 : memref<6272xf32, #tpu.memory_space<vmem_shared>>) dst(%dma_wait3A_33 : memref<6272xf32, #tpu.memory_space<hbm>>)
      tpu.yield
    }) : () -> ()
    return
  }
}

module attributes {stable_mosaic.version = 14 : i64} {
  func.func @_tc_prep_body(%arg0: memref<2x100352xf32, #tpu.memory_space<vmem>>, %arg1: memref<2x100352xf32, #tpu.memory_space<vmem>>, %arg2: memref<2x100352xf32, #tpu.memory_space<vmem>>, %arg3: memref<2x100352xf32, #tpu.memory_space<vmem>>, %arg4: memref<1x100352xf32, #tpu.memory_space<vmem>>, %arg5: memref<1x100352xf32, #tpu.memory_space<vmem>>) attributes {dimension_semantics = [], scalar_prefetch = 0 : i64, scratch_operands = 0 : i64, tpu.core_type = #tpu.core_type<tc>} {
    %get3A = arith.constant 0 : index
    %get3A_0 = arith.constant 0 : index
    %get3A_1 = vector.load %arg0[%get3A, %get3A_0] : memref<2x100352xf32, #tpu.memory_space<vmem>>, vector<1x100352xf32>
    %get3A_2 = arith.constant 1 : index
    %get3A_3 = arith.constant 0 : index
    %get3A_4 = vector.load %arg0[%get3A_2, %get3A_3] : memref<2x100352xf32, #tpu.memory_space<vmem>>, vector<1x100352xf32>
    %add3A = arith.addf %get3A_1, %get3A_4 : vector<1x100352xf32>
    %get3A_5 = arith.constant 0 : index
    %get3A_6 = arith.constant 0 : index
    %get3A_7 = vector.load %arg1[%get3A_5, %get3A_6] : memref<2x100352xf32, #tpu.memory_space<vmem>>, vector<1x100352xf32>
    %get3A_8 = arith.constant 1 : index
    %get3A_9 = arith.constant 0 : index
    %get3A_10 = vector.load %arg1[%get3A_8, %get3A_9] : memref<2x100352xf32, #tpu.memory_space<vmem>>, vector<1x100352xf32>
    %add3A_11 = arith.addf %get3A_7, %get3A_10 : vector<1x100352xf32>
    %max3A = arith.constant 1.000000e+00 : f32
    %max3A_12 = vector.broadcast %max3A : f32 to vector<1x100352xf32>
    %max3A_13 = arith.maximumf %add3A, %max3A_12 : vector<1x100352xf32>
    %rsqrt3A = math.rsqrt %max3A_13 : vector<1x100352xf32>
    %max3A_14 = arith.constant 1.000000e+00 : f32
    %max3A_15 = vector.broadcast %max3A_14 : f32 to vector<1x100352xf32>
    %max3A_16 = arith.maximumf %add3A_11, %max3A_15 : vector<1x100352xf32>
    %rsqrt3A_17 = math.rsqrt %max3A_16 : vector<1x100352xf32>
    %swap3A = arith.constant 0 : index
    %swap3A_18 = arith.constant 0 : index
    %swap3A_19 = vector.load %arg4[%swap3A, %swap3A_18] : memref<1x100352xf32, #tpu.memory_space<vmem>>, vector<1x100352xf32>
    tpu.vector_store %arg4[%swap3A, %swap3A_18], %rsqrt3A {strides = array<i32>} : memref<1x100352xf32, #tpu.memory_space<vmem>>, vector<1x100352xf32>,
    %swap3A_20 = arith.constant 0 : index
    %swap3A_21 = arith.constant 0 : index
    %swap3A_22 = vector.load %arg5[%swap3A_20, %swap3A_21] : memref<1x100352xf32, #tpu.memory_space<vmem>>, vector<1x100352xf32>
    tpu.vector_store %arg5[%swap3A_20, %swap3A_21], %rsqrt3A_17 {strides = array<i32>} : memref<1x100352xf32, #tpu.memory_space<vmem>>, vector<1x100352xf32>,
    %get3A_23 = arith.constant 0 : index
    %get3A_24 = arith.constant 0 : index
    %get3A_25 = vector.load %arg2[%get3A_23, %get3A_24] : memref<2x100352xf32, #tpu.memory_space<vmem>>, vector<2x100352xf32>
    %mul3A = vector.broadcast %rsqrt3A : vector<1x100352xf32> to vector<2x100352xf32>
    %mul3A_26 = arith.mulf %get3A_25, %mul3A : vector<2x100352xf32>
    %swap3A_27 = arith.constant 0 : index
    %swap3A_28 = arith.constant 0 : index
    %swap3A_29 = vector.load %arg3[%swap3A_27, %swap3A_28] : memref<2x100352xf32, #tpu.memory_space<vmem>>, vector<2x100352xf32>
    tpu.vector_store %arg3[%swap3A_27, %swap3A_28], %mul3A_26 {strides = array<i32>} : memref<2x100352xf32, #tpu.memory_space<vmem>>, vector<2x100352xf32>,
    return
  }
}

module attributes {stable_mosaic.version = 14 : i64} {
  func.func @_tc_dense_body(%arg0: memref<2x2x100352xf32, #tpu.memory_space<vmem>>, %arg1: memref<1x100352xf32, #tpu.memory_space<vmem>>, %arg2: memref<1x100352xf32, #tpu.memory_space<vmem>>, %arg3: memref<8x2xf32, #tpu.memory_space<vmem>>, %arg4: memref<8x1xf32, #tpu.memory_space<vmem>>, %arg5: memref<2x8xf32, #tpu.memory_space<vmem>>, %arg6: memref<2x100352xf32, #tpu.memory_space<vmem>>) attributes {dimension_semantics = [], scalar_prefetch = 0 : i64, scratch_operands = 0 : i64, tpu.core_type = #tpu.core_type<tc>} {
    %get3A = arith.constant 0 : index
    %get3A_0 = arith.constant 0 : index
    %get3A_1 = arith.constant 0 : index
    %get3A_2 = vector.load %arg0[%get3A, %get3A_0, %get3A_1] : memref<2x2x100352xf32, #tpu.memory_space<vmem>>, vector<1x2x100352xf32>
    %get3A_3 = vector.shape_cast %get3A_2 : vector<1x2x100352xf32> to vector<2x100352xf32>
    %get3A_4 = arith.constant 1 : index
    %get3A_5 = arith.constant 0 : index
    %get3A_6 = arith.constant 0 : index
    %get3A_7 = vector.load %arg0[%get3A_4, %get3A_5, %get3A_6] : memref<2x2x100352xf32, #tpu.memory_space<vmem>>, vector<1x2x100352xf32>
    %get3A_8 = vector.shape_cast %get3A_7 : vector<1x2x100352xf32> to vector<2x100352xf32>
    %add3A = arith.addf %get3A_3, %get3A_8 : vector<2x100352xf32>
    %get3A_9 = arith.constant 0 : index
    %get3A_10 = arith.constant 0 : index
    %get3A_11 = vector.load %arg2[%get3A_9, %get3A_10] : memref<1x100352xf32, #tpu.memory_space<vmem>>, vector<1x100352xf32>
    %mul3A = vector.broadcast %get3A_11 : vector<1x100352xf32> to vector<2x100352xf32>
    %mul3A_12 = arith.mulf %add3A, %mul3A : vector<2x100352xf32>
    %get3A_13 = arith.constant 0 : index
    %get3A_14 = arith.constant 0 : index
    %get3A_15 = vector.load %arg3[%get3A_13, %get3A_14] : memref<8x2xf32, #tpu.memory_space<vmem>>, vector<8x2xf32>
    %dot_general3A = arith.constant dense<0.000000e+00> : vector<8x100352xf32>
    %dot_general3A_16 = tpu.matmul %get3A_15, %mul3A_12, %dot_general3A {dimension_numbers = #tpu.dot_dimension_numbers<[1], [0], [0], [1], [0, 0, 1, 1], [], []>, transpose_lhs_hint = false} : vector<8x2xf32>, vector<2x100352xf32>, vector<8x100352xf32> -> vector<8x100352xf32>
    %get3A_17 = arith.constant 0 : index
    %get3A_18 = arith.constant 0 : index
    %get3A_19 = vector.load %arg4[%get3A_17, %get3A_18] : memref<8x1xf32, #tpu.memory_space<vmem>>, vector<8x1xf32>
    %add3A_20 = vector.broadcast %get3A_19 : vector<8x1xf32> to vector<8x100352xf32>
    %add3A_21 = arith.addf %dot_general3A_16, %add3A_20 : vector<8x100352xf32>
    %max3A = arith.constant 0.000000e+00 : f32
    %max3A_22 = vector.broadcast %max3A : f32 to vector<8x100352xf32>
    %max3A_23 = arith.maximumf %add3A_21, %max3A_22 : vector<8x100352xf32>
    %get3A_24 = arith.constant 0 : index
    %get3A_25 = arith.constant 0 : index
    %get3A_26 = vector.load %arg5[%get3A_24, %get3A_25] : memref<2x8xf32, #tpu.memory_space<vmem>>, vector<2x8xf32>
    %dot_general3A_27 = arith.constant dense<0.000000e+00> : vector<2x100352xf32>
    %dot_general3A_28 = tpu.matmul %get3A_26, %max3A_23, %dot_general3A_27 {dimension_numbers = #tpu.dot_dimension_numbers<[1], [0], [0], [1], [0, 0, 1, 1], [], []>, transpose_lhs_hint = false} : vector<2x8xf32>, vector<8x100352xf32>, vector<2x100352xf32> -> vector<2x100352xf32>
    %get3A_29 = arith.constant 0 : index
    %get3A_30 = arith.constant 0 : index
    %get3A_31 = vector.load %arg1[%get3A_29, %get3A_30] : memref<1x100352xf32, #tpu.memory_space<vmem>>, vector<1x100352xf32>
    %mul3A_32 = vector.broadcast %get3A_31 : vector<1x100352xf32> to vector<2x100352xf32>
    %mul3A_33 = arith.mulf %dot_general3A_28, %mul3A_32 : vector<2x100352xf32>
    %swap3A = arith.constant 0 : index
    %swap3A_34 = arith.constant 0 : index
    %swap3A_35 = vector.load %arg6[%swap3A, %swap3A_34] : memref<2x100352xf32, #tpu.memory_space<vmem>>, vector<2x100352xf32>
    tpu.vector_store %arg6[%swap3A, %swap3A_34], %mul3A_33 {strides = array<i32>} : memref<2x100352xf32, #tpu.memory_space<vmem>>, vector<2x100352xf32>,
    return
  }
}

module attributes {stable_mosaic.version = 14 : i64} {
  func.func @_tc_final_body(%arg0: memref<2x2x100352xf32, #tpu.memory_space<vmem>>, %arg1: memref<1x100352xf32, #tpu.memory_space<vmem>>, %arg2: memref<2x1xf32, #tpu.memory_space<vmem>>, %arg3: memref<2x100352xf32, #tpu.memory_space<vmem>>) attributes {dimension_semantics = [], scalar_prefetch = 0 : i64, scratch_operands = 0 : i64, tpu.core_type = #tpu.core_type<tc>} {
    %get3A = arith.constant 0 : index
    %get3A_0 = arith.constant 0 : index
    %get3A_1 = arith.constant 0 : index
    %get3A_2 = vector.load %arg0[%get3A, %get3A_0, %get3A_1] : memref<2x2x100352xf32, #tpu.memory_space<vmem>>, vector<1x2x100352xf32>
    %get3A_3 = vector.shape_cast %get3A_2 : vector<1x2x100352xf32> to vector<2x100352xf32>
    %get3A_4 = arith.constant 1 : index
    %get3A_5 = arith.constant 0 : index
    %get3A_6 = arith.constant 0 : index
    %get3A_7 = vector.load %arg0[%get3A_4, %get3A_5, %get3A_6] : memref<2x2x100352xf32, #tpu.memory_space<vmem>>, vector<1x2x100352xf32>
    %get3A_8 = vector.shape_cast %get3A_7 : vector<1x2x100352xf32> to vector<2x100352xf32>
    %add3A = arith.addf %get3A_3, %get3A_8 : vector<2x100352xf32>
    %get3A_9 = arith.constant 0 : index
    %get3A_10 = arith.constant 0 : index
    %get3A_11 = vector.load %arg1[%get3A_9, %get3A_10] : memref<1x100352xf32, #tpu.memory_space<vmem>>, vector<1x100352xf32>
    %mul3A = vector.broadcast %get3A_11 : vector<1x100352xf32> to vector<2x100352xf32>
    %mul3A_12 = arith.mulf %add3A, %mul3A : vector<2x100352xf32>
    %get3A_13 = arith.constant 0 : index
    %get3A_14 = arith.constant 0 : index
    %get3A_15 = vector.load %arg2[%get3A_13, %get3A_14] : memref<2x1xf32, #tpu.memory_space<vmem>>, vector<2x1xf32>
    %add3A_16 = vector.broadcast %get3A_15 : vector<2x1xf32> to vector<2x100352xf32>
    %add3A_17 = arith.addf %mul3A_12, %add3A_16 : vector<2x100352xf32>
    %swap3A = arith.constant 0 : index
    %swap3A_18 = arith.constant 0 : index
    %swap3A_19 = vector.load %arg3[%swap3A, %swap3A_18] : memref<2x100352xf32, #tpu.memory_space<vmem>>, vector<2x100352xf32>
    tpu.vector_store %arg3[%swap3A, %swap3A_18], %add3A_17 {strides = array<i32>} : memref<2x100352xf32, #tpu.memory_space<vmem>>, vector<2x100352xf32>,
    return
  }
}

</mosaic_0001>

<sc_bundles>
// kernel: kernel.11.cloned.1.call-start
scs
__scs_entry_jumppad:
0x0: {  	(pc) =	sbr.rel $0x88, $3  }
0x1: {  	(tag) =	ssettag $0x0;
	lr =	simm.s32 $0x1  }
0x2: {  	[smem:$0x3F9B] =	sst lr;
	_ =	strace $0xD0000000  }
0x3: {  	_ = 	snop  }
0x4: {  	_ = 	snop  }
0x5: {  	_ = 	snop  }
0x6: {  	_ = 	snop  }
0x7: {  	_ = 	snop  }
__scs_overlays_trampoline_lowered:
0x8: {  	[smem:$0x3FAA] =	sst s0  }
0x9: {  	[smem:$0x3FAB] =	sst s1  }
0xa: {  	[smem:$0x3FAC] =	sst s2  }
0xb: {  	[smem:$0x3FAD] =	sst s3  }
0xc: {  	[smem:$0x3FAE] =	sst s4  }
0xd: {  	[smem:$0x3FAF] =	sst s5  }
0xe: {  	[smem:$0x3FB0] =	sst s6  }
0xf: {  	[smem:$0x3FB1] =	sst s7  }
0x10: {  	[smem:$0x3FB2] =	sst s8  }
0x11: {  	[smem:$0x3FB3] =	sst s9;
	s0 =	simm.s32 @!p0 $0x0  }
0x12: {  	s1 =	sld [smem:$0x3F99];
	s0 =	simm.s32 @p0 $0x1  }
0x13: {  	[smem:$0x3FB4] =	sst s0;
	s0 =	simm.s32 @!p1 $0x0  }
0x14: {  	s2 =	sld [smem:$0x3F98];
	s0 =	simm.s32 @p1 $0x1  }
0x15: {  	[smem:$0x3FB5] =	sst s0;
	s0 =	simm.s32 @!p2 $0x0  }
0x16: {  	s3 =	sld [smem:$0x3FDB];
	s0 =	simm.s32 @p2 $0x1  }
0x17: {  	s4 =	simm.s32 $0x1BF5;
	[smem:$0x3FB7] =	sst s0  }
0x18: {  	s0 =	sld [smem:$0x3F9A];
	_ =	swait.ge [sflag:s4], $0x0  }
0x19: {  	s7 =	sld [smem:$0x3F9B]  }
0x1a: {  	s8 =	sadd.s32 $0xFFFFE003, lr  }
0x1b: {  	s9 =	sadd.s32 $0xFFFFFEF7, lr;
	s5 =	simm.s32 $0xFFFFFFFF;
	p2 =	slt.u32 s8, $0xFFFFF086  }
0x1c: {  	p1 =	slt.u32 s9, $0xF7A;
	s5 =	simm.s32 @!p2 $0x0  }
0x1d: {  	s5 =	simm.s32 @p1 $0x1;
	p0 =	seq.s32 s7, s2  }
0x1e: {  	s7 =	smul.u32 @!p0 $0xF7A, s2;
	p2 =	seq.s32 @!p0 s5, $0x0  }
0x1f: {  	s9 =	smul.u32 $0xF7A, s1;
	s8 =	simm.s32 @!p0 $0x1BF5;
	p2 =	por !p2, p0  }
0x20: {  	[sflag:s8] =	ssyncset.s32 @!p0 $0xFFFFF086;
	s6 =	sadd.s32 @!p0 s3, s7;
	s7 =	simm.s32 @!p0 $0x108  }
0x21: {  	s3 =	sadd.s32 s3, s9;
	s6 =	sadd.s32 @!p0 $0x88, s6;
	s7 =	simm.s32 @p2 $0x1082  }
0x22: {  	[simem:s7], [sflag:s8] =	dma.local @!p0 [hbm:s6], $0xF7A  }
0x23: {  	s9 =	sor.u32 $0xD0000000, s2;
	s6 =	simm.s32 $0x108;
	_ =	swait.ge @!p0 [sflag:s8], $0x0  }
0x24: {  	s3 =	sadd.s32 $0x88, s3;
	s6 =	simm.s32 @!p1 $0x1082;
	[sflag:s4] =	ssyncset.s32 $0xFFFFF086  }
0x25: {  	[simem:s6], [sflag:s4] =	dma.local [hbm:s3], $0xF7A  }
0x26: {  	[smem:$0x3F9B] =	sst s1;
	(tag) =	ssettag s2;
	_ =	strace s9  }
0x27: {  	s1 =	sld [smem:$0x3FAB]  }
0x28: {  	s2 =	sld [smem:$0x3FAC]  }
0x29: {  	s4 =	sld [smem:$0x3FAE]  }
0x2a: {  	p0 =	seq.s32 s5, $0x0;
	s5 =	sld [smem:$0x3FAF]  }
0x2b: {  	s6 =	sld [smem:$0x3FB0]  }
0x2c: {  	s7 =	sld [smem:$0x3FB1]  }
0x2d: {  	s3 =	simm.s32 $0x108;
	s8 =	sld [smem:$0x3FB2]  }
0x2e: {  	s3 =	simm.s32 @!p0 $0x1082;
	s9 =	sld [smem:$0x3FB3]  }
0x2f: {  	lr =	sadd.s32 s0, s3;
	s0 =	sld [smem:$0x3FAA]  }
0x30: {  	s3 =	sld [smem:$0x3FAD]  }
0x31: {  	[smem:$0x3FB6] =	sst s10  }
0x32: {  	s10 =	sld [smem:$0x3FB4];
	_ =	sdelay $0x3  }
0x33: {  	p0 =	seq.s32 s10, $0x1;
	s10 =	sld [smem:$0x3FB6];
	_ =	sdelay $0x3  }
0x34: {  	[smem:$0x3FB6] =	sst s10  }
0x35: {  	s10 =	sld [smem:$0x3FB5];
	_ =	sdelay $0x3  }
0x36: {  	p1 =	seq.s32 s10, $0x1;
	s10 =	sld [smem:$0x3FB6];
	_ =	sdelay $0x3  }
0x37: {  	[smem:$0x3FB6] =	sst s10  }
0x38: {  	s10 =	sld [smem:$0x3FB7]  }
0x39: {  	_ = 	snop;
	(pc) =	sbr.ind lr, $3  }
0x3a: {  	_ = 	snop  }
0x3b: {  	_ = 	snop  }
0x3c: {  	p2 =	seq.s32 s10, $0x1;
	s10 =	sld [smem:$0x3FB6]  }
0x3d: {  	_ =	shalt  }
0x3e: {  	_ =	shalt  }
0x3f: {  	_ =	shalt  }
0x40: {  	_ =	shalt  }
0x41: {  	_ =	shalt  }
0x42: {  	_ =	shalt  }
0x43: {  	_ =	shalt  }
0x44: {  	_ =	shalt  }
0x45: {  	_ =	shalt  }
0x46: {  	_ =	shalt  }
0x47: {  	_ =	shalt  }
0x48: {  	_ =	shalt  }
0x49: {  	_ =	shalt  }
0x4a: {  	_ =	shalt  }
0x4b: {  	_ =	shalt  }
0x4c: {  	_ =	shalt  }
0x4d: {  	_ =	shalt  }
0x4e: {  	_ =	shalt  }
0x4f: {  	_ =	shalt  }
0x50: {  	_ =	shalt  }
0x51: {  	_ =	shalt  }
0x52: {  	_ =	shalt  }
0x53: {  	_ =	shalt  }
0x54: {  	_ =	shalt  }
0x55: {  	_ =	shalt  }
0x56: {  	_ =	shalt  }
0x57: {  	_ =	shalt  }
0x58: {  	_ =	shalt  }
0x59: {  	_ =	shalt  }
0x5a: {  	_ =	shalt  }
0x5b: {  	_ =	shalt  }
0x5c: {  	_ =	shalt  }
0x5d: {  	_ =	shalt  }
0x5e: {  	_ =	shalt  }
0x5f: {  	_ =	shalt  }
0x60: {  	_ =	shalt  }
0x61: {  	_ =	shalt  }
0x62: {  	_ =	shalt  }
0x63: {  	_ =	shalt  }
0x64: {  	_ =	shalt  }
0x65: {  	_ =	shalt  }
0x66: {  	_ =	shalt  }
0x67: {  	_ =	shalt  }
0x68: {  	_ =	shalt  }
0x69: {  	_ =	shalt  }
0x6a: {  	_ =	shalt  }
0x6b: {  	_ =	shalt  }
0x6c: {  	_ =	shalt  }
0x6d: {  	_ =	shalt  }
0x6e: {  	_ =	shalt  }
0x6f: {  	_ =	shalt  }
0x70: {  	_ =	shalt  }
0x71: {  	_ =	shalt  }
0x72: {  	_ =	shalt  }
0x73: {  	_ =	shalt  }
0x74: {  	_ =	shalt  }
0x75: {  	_ =	shalt  }
0x76: {  	_ =	shalt  }
0x77: {  	_ =	shalt  }
0x78: {  	_ =	shalt  }
0x79: {  	_ =	shalt  }
0x7a: {  	_ =	shalt  }
0x7b: {  	_ =	shalt  }
0x7c: {  	_ =	shalt  }
0x7d: {  	_ =	shalt  }
0x7e: {  	_ =	shalt  }
0x7f: {  	_ =	shalt  }
0x80: {  	_ =	shalt  }
0x81: {  	_ =	shalt  }
0x82: {  	_ =	shalt  }
0x83: {  	_ =	shalt  }
0x84: {  	_ =	shalt  }
0x85: {  	_ =	shalt  }
0x86: {  	_ =	shalt  }
0x87: {  	_ =	shalt  }
.Lfunc_end0:
.L_simem_size_0:
called_computation.1_lowered:
.L_overlay_start_0:
0x88: {  	s2 =	sld [smem:$0x3FD9]  }
0x89: {  	s3 =	sld [smem:$0x3FFE];
	_ =	sdelay $0x1  }
0x8a: {  	s1 =	srdreg.scid  }
0x8b: {  	s0 =	sand.u32 $0x1, s1  }
0x8c: {  	s16 =	sshll.u32 s0, $0xA;
	s2 =	sadd.s32 s3, s2  }
0x8d: {  	s2 =	sadd.s32 s2, s16  }
0x8e: {  	[smem:$0x3FC2] =	sst s2  }
0x8f: {  	_ = 	snop  }
0x90: {  	(tm) =	ssettm $0x1  }
0x91: {  	s17 =	sld [smem:$0x3FFB];
	_ =	sdelay $0x3  }
0x92: {  	_ =	strace s17  }
0x93: {  	s2 =	sld [smem:$0x3FFC];
	_ =	sdelay $0x3  }
0x94: {  	_ =	strace s2  }
0x95: {  	s2 =	sld [smem:$0x3FFD];
	_ =	sdelay $0x3  }
0x96: {  	_ =	strace s2  }
0x97: {  	_ =	strace $0x8FFFFFFF  }
0x98: {  	s18 =	sld [smem:$0x3FDB];
	_ =	sdelay $0x1  }
0x99: {  	s19 =	simm.s32 $_scs_section_size  }
0x9a: {  	s4 =	simm.s32 $_size__tile_overlayer_lowered;
	s5 =	simm.s32 $_tile_overlayer_lowered  }
0x9b: {  	s22 =	simm.s32 $0x1BFF;
	s21 =	sshll.u32 s5, $0x1;
	s2 =	sadd.s32 s19, s18  }
0x9c: {  	s6 =	simm.s32 $0x0;
	s20 =	sshll.u32 s4, $0x1;
	s4 =	sadd.s32 s21, s2  }
0x9d: {  	[timem:s6], [sflag:s22] =	dma.local [hbm:s4], s20  }
0x9e: {  	_ =	swait.ge [sflag:s22], s20  }
0x9f: {  	s3 =	ssub.s32 $0x0, s20;
	[sflag:s22] =	ssyncset.done $0x0  }
0xa0: {  	[sflag:s22] =	ssyncadd.s32 s3;
	_ =	sdelay $0x1  }
0xa1: {  	s23 =	simm.s32 $0x1B8B  }
0xa2: {  	_ =	swait.ge [sflag:s23], $0x1  }
0xa3: {  	[sflag:s23] =	ssyncset.done $0x0  }
0xa4: {  	s25 =	simm.s32 $0x1B8E;
	s24 =	sld [smem:$0x3FFE];
	[sflag:s23] =	ssyncadd.s32 $0xFFFFFFFF  }
0xa5: {  	s26 =	simm.s32 $execute0_lowered;
	[smem:$0x3FD2] =	sst s25  }
0xa6: {  	s4 =	sshll.u32 s26, $0x1;
	_ =	strace $0x80000049;
	[dreg:$0x1] =	wrdreg $0xFFFFFFFF  }
0xa7: {  	s28 =	simm.s32 $_size_execute0_lowered;
	s2 =	sadd.s32 s2, s4;
	[dreg:$0x0] =	wrdreg $0x0  }
0xa8: {  	s4 =	sshll.u32 s28, $0x1;
	[dreg:$0x2] =	wrdreg s2  }
0xa9: {  	[dreg:$0x3] =	wrdreg s4  }
0xaa: {  	[dreg:$0x4] =	wrdreg $0xC0  }
0xab: {  	_ =	task [dreg:s6], $0x5FFFF  }
0xac: {  	[dreg:$0x1] =	wrdreg $0xFFFFFFFF  }
0xad: {  	[dreg:$0x0] =	wrdreg $0x60  }
0xae: {  	[dreg:$0x2] =	wrdreg s24  }
0xaf: {  	[dreg:$0x3] =	wrdreg $0x0  }
0xb0: {  	[dreg:$0x4] =	wrdreg $0x18800  }
0xb1: {  	[dreg:$0x5] =	wrdreg $0x31000  }
0xb2: {  	[dreg:$0x6] =	wrdreg $0x49800  }
0xb3: {  	[dreg:$0x7] =	wrdreg $0x9  }
0xb4: {  	_ =	task.clear_ibuf [dreg:s6], $0x8FFFF;
	_ =	strace $0x90000049  }
0xb5: {  	s29 =	simm.s32 $0x9;
	_ =	strace $0x8000004B  }
0xb6: {  	_ =	swait.ge [sflag:s29], $0x1  }
0xb7: {  	[sflag:s29] =	ssyncadd.s32 $0xFFFFFFFF  }
0xb8: {  	_ =	strace $0x9000004B  }
0xb9: {  	_ =	sfence  }
0xba: {  	s30 =	sld [smem:$0x0];
	_ =	sdelay $0x2  }
0xbb: {  	s31 =	sshll.u32 s1, $0xD;
	s1 =	sshrl.u32 s1, $0x2  }
0xbc: {  	s3 =	sand.u32 $0x4000, s31;
	s1 =	sadd.s32 s1, s30  }
0xbd: {  	s0 =	sor.u32 s3, s0;
	s1 =	sshll.u32 s1, $0x11  }
0xbe: {  	s0 =	sor.u32 s1, s0  }
0xbf: {  	s0 =	sadd.s32 $0x8F2B, s0  }
0xc0: {  	[sflag:s0] =	ssyncadd.remote.s32 $0x1  }
0xc1: {  	_ =	sfence.sel $0xFFFF  }
0xc2: {  	[dreg:$0x0] =	wrdreg $0xFFFFFFFF;
	(pc) =	sbr.abs _section_cstart, $3  }
0xc3: {  	[dreg:$0x1] =	wrdreg $0xFFFFFFFF  }
0xc4: {  	_ =	task.clear_ibuf [dreg:s6], $0x2FFFF;
	_ =	strace $0x9FFFFFFF  }
0xc5: {  	(tm) =	ssettm $0x7FFFFFFF  }
tec
execute0_lowered:
.L_overlay_start_1:
0x0: {  	(tag) =	ssettag $0x1  }
0x1: {  	s0 =	rddreg [dreg:$0x0]  }
0x2: {  	s1 =	rddreg [dreg:$0x1]  }
0x3: {  	s3 =	rddreg [dreg:$0x2]  }
0x4: {  	s4 =	rddreg [dreg:$0x3]  }
0x5: {  	s5 =	rddreg [dreg:$0x4];
	s16 =	stileid.u32  }
0x6: {  	s2 =	srdreg.scid;
	s6 =	simm.s32 $0x0;
	s28 =	simm.s32 $0x4  }
0x7: {  	s30 =	simm.s32 $0x6200;
	s9 =	smul.u32 $0x3100, s16;
	s2 =	sand.u32 $0x1, s2  }
0x8: {  	[smem:$0x7FF] =	sst s6;
	s7 =	sadd.s32 $0xC6000, s0;
	s13 =	smul.u32 $0x1880, s16  }
0x9: {  	s8 =	sadd.s32 $0x2A00, s0;
	s29 =	sshll.u32 s16, $0x6;
	s18 =	smul.u32 $0x30D40, s16  }
0xa: {  	s10 =	smul.u32 $0x31000, s2;
	_ =	strace $0x8000004A;
	s23 =	ssub.s32 $0x2, s2  }
0xb: {  	s12 =	sshll.u32 s2, $0x4;
	s2 =	smul.u32 $0x30D400, s2;
	s11 =	sshrl.u32 s9, $0x3  }
0xc: {  	s24 =	sshrl.u32 s23, $0x1;
	s25 =	sor.u32 s16, s12;
	s15 =	sadd.s32 s13, s1  }
0xd: {  	s17 =	sadd.s32 s13, s3;
	s20 =	sadd.s32 s13, s4;
	s21 =	sadd.s32 s13, s5  }
0xe: {  	s9 =	sadd.s32 s9, s10;
	s11 =	sadd.s32 s11, s0;
	s14 =	smul.u32 $0x30D40, s25  }
0xf: {  	s10 =	sor.u32 $0x1C04, s29;
	s2 =	sadd.s32 s18, s2;
	[dreg:$0x8] =	wrdreg s20  }
0x10: {  	s29 =	sshrl.u32 s17, $0x3;
	[dreg:$0x9] =	wrdreg s21;
	s9 =	sshrl.u32 s9, $0x3  }
0x11: {  	s26 =	sadd.s32 $0x189600, s11;
	s11 =	sadd.s32 $0x189610, s11;
	[dreg:$0x13] =	wrdreg s29  }
0x12: {  	s0 =	sadd.s32 s9, s0;
	s9 =	ssub.s32 s23, s24;
	[dreg:$0x6] =	wrdreg s26  }
0x13: {  	[dreg:$0x7] =	wrdreg s11;
	s24 =	sadd.s32 $0xFA0, s2;
	s2 =	sadd.s32 $0x1F40, s2  }
0x14: {  	s19 =	sshrl.u32 s14, $0x3;
	s26 =	sshrl.u32 s15, $0x3;
	[dreg:$0xf] =	wrdreg s2  }
0x15: {  	s31 =	simm.s32 $0x7200;
	s14 =	sadd.s32 s7, s19;
	[dreg:$0x12] =	wrdreg s26  }
0x16: {  	s16 =	simm.s32 $0xC200;
	s22 =	sadd.s32 $0x18F800, s0;
	[dreg:$0xa] =	wrdreg s14  }
0x17: {  	s17 =	simm.s32 $0xD200;
	s23 =	sadd.s32 s8, s19;
	[dreg:$0xb] =	wrdreg s22  }
0x18: {  	s18 =	simm.s32 $0x3;
	s0 =	sadd.s32 $0x18F810, s0;
	[dreg:$0xc] =	wrdreg s23  }
0x19: {  	s11 =	simm.s32 $0x8200;
	s9 =	smax.u32 s9, $0x1;
	[dreg:$0xd] =	wrdreg s0  }
0x1a: {  	s15 =	simm.s32 $0x2;
	s2 =	simm.s32 $0xA200;
	[dreg:$0xe] =	wrdreg s9  }
0x1b: {  	s0 =	sshrl.u32 s24, $0x3;
	s23 =	simm.s32 $0x1;
	s24 =	simm.s32 $0x10  }
0x1c: {  	s9 =	simm.s32 $0xB200;
	s14 =	simm.s32 $0x9200;
	s25 =	sadd.s32 s0, s8  }
0x1d: {  	s22 =	simm.s32 $0x0;
	s0 =	sadd.s32 s0, s7;
	[dreg:$0x10] =	wrdreg s25  }
0x1e: {  	v0 =	vimm.f32 $0.0e+00;
	[dreg:$0x11] =	wrdreg s0;
	s25 =	simm.s32 $0x20;
	s0 =	simm.s32 $0xFA0  }
.LBB2_1:
0x1f: {  	s12 =	simm.s32 $0x40;
	s19 =	simm.s32 $0x0  }
.LBB2_2:
0x20: {  	p0 =	sne.s32 s12, $0x61C0;
	[tilespmem:s19+$0xE200] =	vst v0;
	s19 =	smov.u32 s12;
	s12 =	sadd.s32 $0x40, s12  }
.Ltmp0:
0x21: {  	(pc) =	sbr.rel @p0 .LBB2_2-.Ltmp0, $2  }
0x22: {  	_ =	sdelay $0x2  }
0x23: {  	s19 =	sshra.s32 s19, $0x2  }
0x24: {  	s12 =	rddreg [dreg:$0x6]  }
0x25: {  	[tilespmem:s19+$0xE200] =	vst v0;
	s13 =	rddreg [dreg:$0x12]  }
0x26: {  	[spmem:s13@s24], [sflag:s10] =	dma.strided [hbm:s12@s25], $0x310, s23, $0x10   }
0x27: {  	_ =	swait.ge [sflag:s28], $0x310  }
0x28: {  	[sflag:s28] =	ssyncset.done $0x0;
	s13 =	rddreg [dreg:$0x7]  }
0x29: {  	s19 =	rddreg [dreg:$0x13];
	[sflag:s28] =	ssyncadd.s32 $0xFFFFFCF0  }
0x2a: {  	[spmem:s19@s24], [sflag:s10] =	dma.strided [hbm:s13@s25], $0x310, s23, $0x10   }
0x2b: {  	_ =	swait.ge [sflag:s28], $0x310  }
0x2c: {  	[sflag:s28] =	ssyncset.done $0x0  }
0x2d: {  	s25 =	simm.s32 $0xE200;
	[sflag:s28] =	ssyncadd.s32 $0xFFFFFCF0  }
0x2e: {  	[spmem:s20] =	stream.linear.scatter [tilespmem:s25], [sflag:$0x4], $0x1880, $0x38;
	[tilespmem:$0xFA80] =	vst v63  }
0x2f: {  	_ =	swait.ge [sflag:s28], $0x1880  }
0x30: {  	[sflag:s28] =	ssyncset.done $0x0  }
0x31: {  	[sflag:s28] =	ssyncadd.s32 $0xFFFFE780  }
0x32: {  	[spmem:s21] =	stream.linear.scatter [tilespmem:s25], [sflag:$0x4], $0x1880, $0x38;
	[tilespmem:$0xFA80] =	vst v63  }
0x33: {  	_ =	swait.ge [sflag:s28], $0x1880  }
0x34: {  	[sflag:s28] =	ssyncset.done $0x0  }
0x35: {  	[sflag:s28] =	ssyncadd.s32 $0xFFFFE780  }
0x36: {  	[bflag:$0x0] =	sbarrier.arrive $0xFFFF  }
0x37: {  	s26 =	simm.s32 $0x0;
	s19 =	rddreg [dreg:$0xa]  }
0x38: {  	[tilespmem:s30], [sflag:$0x1] =	stream.linear.gather [hbm4b:s19+s26], $0xFA0, $0x38;
	[tilespmem:$0xFA80] =	vst v63  }
0x39: {  	s20 =	rddreg [dreg:$0xc]  }
0x3a: {  	[tilespmem:s31], [sflag:$0x1] =	stream.linear.gather [hbm4b:s20+s26], $0xFA0, $0x38;
	[tilespmem:$0xFA80] =	vst v63  }
0x3b: {  	_ =	swait.ge [sflag:s23], $0xFA0  }
0x3c: {  	[sflag:s23] =	ssyncset.done $0x0  }
0x3d: {  	[sflag:s23] =	ssyncadd.s32 $0xFFFFF060  }
0x3e: {  	_ =	swait.ge [sflag:s23], $0xFA0  }
0x3f: {  	[sflag:s23] =	ssyncset.done $0x0  }
0x40: {  	p0 =	por $0x1, $0x1;
	[sflag:s23] =	ssyncadd.s32 $0xFFFFF060  }
0x41: {  	[tilespmem:s2], [sflag:$0x2] =	stream.indirect.gather [spmem:s1], $0x1, s30, s0, $0xb8;
	[tilespmem:$0xFA80] =	vst v63  }
0x42: {  	s12 =	simm.s32 @!p0 $0x3  }
0x43: {  	[tilespmem:s9], [sflag:$0x2] =	stream.indirect.gather [spmem:s3], $0x1, s30, s0, $0xb8;
	[tilespmem:$0xFA80] =	vst v63  }
0x44: {  	_ =	swait.ge @!p0 [sflag:s12], $0xFA0  }
0x45: {  	[sflag:s12] =	ssyncset.done @!p0 $0x0  }
0x46: {  	[sflag:s12] =	ssyncadd.s32 @!p0 $0xFFFFF060  }
0x47: {  	_ =	swait.ge @!p0 [sflag:s12], $0xFA0  }
0x48: {  	[sflag:s12] =	ssyncset.done @!p0 $0x0  }
0x49: {  	s21 =	rddreg [dreg:$0x11];
	[sflag:s12] =	ssyncadd.s32 @!p0 $0xFFFFF060  }
0x4a: {  	[tilespmem:s11], [sflag:$0x1] =	stream.linear.gather [hbm4b:s21+s6], $0xFA0, $0x38;
	[tilespmem:$0xFA80] =	vst v63  }
0x4b: {  	s26 =	rddreg [dreg:$0x10]  }
0x4c: {  	[tilespmem:s14], [sflag:$0x1] =	stream.linear.gather [hbm4b:s26+s6], $0xFA0, $0x38;
	[tilespmem:$0xFA80] =	vst v63  }
0x4d: {  	_ =	swait.ge [sflag:s15], $0xFA0  }
0x4e: {  	[sflag:s15] =	ssyncset.done $0x0  }
0x4f: {  	[sflag:s15] =	ssyncadd.s32 $0xFFFFF060  }
0x50: {  	_ =	swait.ge [sflag:s15], $0xFA0  }
0x51: {  	[sflag:s15] =	ssyncset.done $0x0  }
0x52: {  	[sflag:s15] =	ssyncadd.s32 $0xFFFFF060  }
0x53: {  	[spmem:s4] =	stream.indirect.scatter.add.f32 [tilespmem:s2], [sflag:$0x3], $0x1, s31, s0, $0xb8;
	[tilespmem:$0xFA80] =	vst v63  }
0x54: {  	_ = 	snop  }
0x55: {  	[spmem:s5] =	stream.indirect.scatter.add.f32 [tilespmem:s9], [sflag:$0x3], $0x1, s31, s0, $0xb8;
	[tilespmem:$0xFA80] =	vst v63  }
0x56: {  	_ =	swait.ge [sflag:s23], $0xFA0  }
0x57: {  	[sflag:s23] =	ssyncset.done $0x0  }
0x58: {  	[sflag:s23] =	ssyncadd.s32 $0xFFFFF060  }
0x59: {  	_ =	swait.ge [sflag:s23], $0xFA0  }
0x5a: {  	[sflag:s23] =	ssyncset.done $0x0  }
0x5b: {  	[sflag:s23] =	ssyncadd.s32 $0xFFFFF060  }
0x5c: {  	[tilespmem:s16], [sflag:$0x2] =	stream.indirect.gather [spmem:s1], $0x1, s11, s0, $0xb8;
	[tilespmem:$0xFA80] =	vst v63  }
0x5d: {  	_ = 	snop  }
0x5e: {  	[tilespmem:s17], [sflag:$0x2] =	stream.indirect.gather [spmem:s3], $0x1, s11, s0, $0xb8;
	[tilespmem:$0xFA80] =	vst v63  }
0x5f: {  	_ =	swait.ge [sflag:s18], $0xFA0  }
0x60: {  	[sflag:s18] =	ssyncset.done $0x0  }
0x61: {  	[sflag:s18] =	ssyncadd.s32 $0xFFFFF060  }
0x62: {  	_ =	swait.ge [sflag:s18], $0xFA0  }
0x63: {  	p0 =	por $0x0, $0x0;
	s13 =	rddreg [dreg:$0xf]  }
0x64: {  	s19 =	simm.s32 @!p0 $0x6200;
	[sflag:s18] =	ssyncset.done $0x0;
	s12 =	sshrl.u32 @!p0 s13, $0x3  }
0x65: {  	s25 =	simm.s32 @!p0 $0x0;
	[sflag:s18] =	ssyncadd.s32 $0xFFFFF060;
	s20 =	sadd.s32 @!p0 s7, s12  }
0x66: {  	[tilespmem:s19], [sflag:$0x1] =	stream.linear.gather @!p0 [hbm4b:s20+s25], $0xFA0, $0x38;
	[tilespmem:$0xFA80] =	vst v63  }
0x67: {  	s12 =	sadd.s32 @!p0 s8, s12;
	s19 =	simm.s32 @!p0 $0x7200  }
0x68: {  	[tilespmem:s19], [sflag:$0x1] =	stream.linear.gather @!p0 [hbm4b:s12+s25], $0xFA0, $0x38;
	[tilespmem:$0xFA80] =	vst v63  }
0x69: {  	_ =	swait.ge [sflag:s15], $0xFA0  }
0x6a: {  	[sflag:s15] =	ssyncset.done $0x0  }
0x6b: {  	[sflag:s15] =	ssyncadd.s32 $0xFFFFF060  }
0x6c: {  	_ =	swait.ge [sflag:s15], $0xFA0  }
0x6d: {  	s29 =	simm.s32 $0x1;
	s20 =	smov.u32 s26;
	[sflag:s15] =	ssyncset.done $0x0  }
0x6e: {  	s25 =	sadd.s32 $0x3E8, s21;
	s19 =	smov.u32 s13;
	[sflag:s15] =	ssyncadd.s32 $0xFFFFF060  }
0x6f: {  	[spmem:s4] =	stream.indirect.scatter.add.f32 [tilespmem:s16], [sflag:$0x3], $0x1, s14, s0, $0xb8;
	[tilespmem:$0xFA80] =	vst v63  }
.LBB2_4:
0x70: {  	s19 =	sadd.s32 $0x1F40, s19  }
0x71: {  	s20 =	sadd.s32 $0x3E8, s20;
	s12 =	smov.u32 s29;
	s29 =	sadd.s32 $0x1, s29  }
0x72: {  	[spmem:s5] =	stream.indirect.scatter.add.f32 [tilespmem:s17], [sflag:$0x3], $0x1, s14, s0, $0xb8;
	[tilespmem:$0xFA80] =	vst v63  }
0x73: {  	p0 =	sne.s32 s29, $0x19;
	_ =	swait.ge [sflag:s23], $0xFA0  }
0x74: {  	[sflag:s23] =	ssyncset.done $0x0  }
0x75: {  	[sflag:s23] =	ssyncadd.s32 $0xFFFFF060  }
0x76: {  	_ =	swait.ge [sflag:s23], $0xFA0  }
0x77: {  	[sflag:s23] =	ssyncset.done $0x0  }
0x78: {  	[sflag:s23] =	ssyncadd.s32 $0xFFFFF060  }
0x79: {  	[tilespmem:s2], [sflag:$0x2] =	stream.indirect.gather [spmem:s1], $0x1, s30, s0, $0xb8;
	[tilespmem:$0xFA80] =	vst v63  }
0x7a: {  	p1 =	seq.s32 s12, $0x0  }
0x7b: {  	[tilespmem:s9], [sflag:$0x2] =	stream.indirect.gather [spmem:s3], $0x1, s30, s0, $0xb8;
	[tilespmem:$0xFA80] =	vst v63  }
0x7c: {  	s21 =	simm.s32 @!p1 $0x3  }
0x7d: {  	_ =	swait.ge @!p1 [sflag:s21], $0xFA0  }
0x7e: {  	[sflag:s21] =	ssyncset.done @!p1 $0x0  }
0x7f: {  	[sflag:s21] =	ssyncadd.s32 @!p1 $0xFFFFF060  }
0x80: {  	_ =	swait.ge @!p1 [sflag:s21], $0xFA0  }
0x81: {  	[sflag:s21] =	ssyncset.done @!p1 $0x0  }
0x82: {  	[sflag:s21] =	ssyncadd.s32 @!p1 $0xFFFFF060  }
0x83: {  	[tilespmem:s11], [sflag:$0x1] =	stream.linear.gather [hbm4b:s25+s6], $0xFA0, $0x38;
	[tilespmem:$0xFA80] =	vst v63  }
0x84: {  	_ = 	snop  }
0x85: {  	[tilespmem:s14], [sflag:$0x1] =	stream.linear.gather [hbm4b:s20+s6], $0xFA0, $0x38;
	[tilespmem:$0xFA80] =	vst v63  }
0x86: {  	_ =	swait.ge [sflag:s15], $0xFA0  }
0x87: {  	[sflag:s15] =	ssyncset.done $0x0  }
0x88: {  	[sflag:s15] =	ssyncadd.s32 $0xFFFFF060  }
0x89: {  	_ =	swait.ge [sflag:s15], $0xFA0  }
0x8a: {  	[sflag:s15] =	ssyncset.done $0x0  }
0x8b: {  	[sflag:s15] =	ssyncadd.s32 $0xFFFFF060  }
0x8c: {  	[spmem:s4] =	stream.indirect.scatter.add.f32 [tilespmem:s2], [sflag:$0x3], $0x1, s31, s0, $0xb8;
	[tilespmem:$0xFA80] =	vst v63  }
0x8d: {  	_ = 	snop  }
0x8e: {  	[spmem:s5] =	stream.indirect.scatter.add.f32 [tilespmem:s9], [sflag:$0x3], $0x1, s31, s0, $0xb8;
	[tilespmem:$0xFA80] =	vst v63  }
0x8f: {  	_ =	swait.ge [sflag:s23], $0xFA0  }
0x90: {  	[sflag:s23] =	ssyncset.done $0x0  }
0x91: {  	[sflag:s23] =	ssyncadd.s32 $0xFFFFF060  }
0x92: {  	_ =	swait.ge [sflag:s23], $0xFA0  }
0x93: {  	[sflag:s23] =	ssyncset.done $0x0  }
0x94: {  	[sflag:s23] =	ssyncadd.s32 $0xFFFFF060  }
0x95: {  	[tilespmem:s16], [sflag:$0x2] =	stream.indirect.gather [spmem:s1], $0x1, s11, s0, $0xb8;
	[tilespmem:$0xFA80] =	vst v63  }
0x96: {  	_ = 	snop  }
0x97: {  	[tilespmem:s17], [sflag:$0x2] =	stream.indirect.gather [spmem:s3], $0x1, s11, s0, $0xb8;
	[tilespmem:$0xFA80] =	vst v63  }
0x98: {  	_ =	swait.ge [sflag:s18], $0xFA0  }
0x99: {  	[sflag:s18] =	ssyncset.done $0x0  }
0x9a: {  	p1 =	sgt.u32 s12, $0x17;
	[sflag:s18] =	ssyncadd.s32 $0xFFFFF060  }
0x9b: {  	s12 =	sshrl.u32 @!p1 s19, $0x3;
	s21 =	simm.s32 @!p1 $0x6200;
	_ =	swait.ge [sflag:s18], $0xFA0  }
0x9c: {  	s13 =	simm.s32 @!p1 $0x0;
	s24 =	sadd.s32 @!p1 s7, s12;
	[sflag:s18] =	ssyncset.done $0x0  }
0x9d: {  	s26 =	simm.s32 @!p1 $0x7200;
	s12 =	sadd.s32 @!p1 s8, s12;
	[sflag:s18] =	ssyncadd.s32 $0xFFFFF060  }
0x9e: {  	[tilespmem:s21], [sflag:$0x1] =	stream.linear.gather @!p1 [hbm4b:s24+s13], $0xFA0, $0x38;
	[tilespmem:$0xFA80] =	vst v63  }
0x9f: {  	_ = 	snop  }
0xa0: {  	[tilespmem:s26], [sflag:$0x1] =	stream.linear.gather @!p1 [hbm4b:s12+s13], $0xFA0, $0x38;
	[tilespmem:$0xFA80] =	vst v63  }
0xa1: {  	_ =	swait.ge [sflag:s15], $0xFA0  }
0xa2: {  	[sflag:s15] =	ssyncset.done $0x0  }
.Ltmp1:
0xa3: {  	[sflag:s15] =	ssyncadd.s32 $0xFFFFF060;
	(pc) =	sbr.rel @p0 .LBB2_4-.Ltmp1, $4  }
0xa4: {  	_ =	swait.ge [sflag:s15], $0xFA0  }
0xa5: {  	[sflag:s15] =	ssyncset.done $0x0  }
0xa6: {  	s25 =	sadd.s32 $0x3E8, s25;
	[sflag:s15] =	ssyncadd.s32 $0xFFFFF060  }
0xa7: {  	[spmem:s4] =	stream.indirect.scatter.add.f32 [tilespmem:s16], [sflag:$0x3], $0x1, s14, s0, $0xb8;
	[tilespmem:$0xFA80] =	vst v63  }
0xa8: {  	[spmem:s5] =	stream.indirect.scatter.add.f32 [tilespmem:s17], [sflag:$0x3], $0x1, s14, s0, $0xb8;
	[tilespmem:$0xFA80] =	vst v63  }
0xa9: {  	_ =	swait.ge [sflag:s18], $0xFA0  }
0xaa: {  	[sflag:s18] =	ssyncset.done $0x0  }
0xab: {  	[sflag:s18] =	ssyncadd.s32 $0xFFFFF060  }
0xac: {  	_ =	swait.ge [sflag:s18], $0xFA0  }
0xad: {  	[sflag:s18] =	ssyncset.done $0x0  }
0xae: {  	[sflag:s18] =	ssyncadd.s32 $0xFFFFF060  }
0xaf: {  	[bflag:$0x0] =	sbarrier.arrive $0xFFFF  }
0xb0: {  	s24 =	simm.s32 $0x10;
	s20 =	rddreg [dreg:$0x8]  }
0xb1: {  	s25 =	simm.s32 $0x20;
	s13 =	rddreg [dreg:$0xb];
	s12 =	sshrl.u32 s20, $0x3  }
0xb2: {  	[hbm:s13@s25], [sflag:s10] =	dma.strided [spmem:s12@s24], $0x310, s23, $0x10   }
0xb3: {  	_ =	swait.ge [sflag:s28], $0x310  }
0xb4: {  	[sflag:s28] =	ssyncset.done $0x0;
	s21 =	rddreg [dreg:$0x9]  }
0xb5: {  	s26 =	rddreg [dreg:$0xd];
	[sflag:s28] =	ssyncadd.s32 $0xFFFFFCF0;
	s19 =	sshrl.u32 s21, $0x3  }
0xb6: {  	[hbm:s26@s25], [sflag:s10] =	dma.strided [spmem:s19@s24], $0x310, s23, $0x10   }
0xb7: {  	_ =	swait.ge [sflag:s28], $0x310  }
0xb8: {  	s22 =	sadd.s32 $0x1, s22;
	s29 =	rddreg [dreg:$0xe]  }
0xb9: {  	p0 =	sne.s32 s22, s29  }
.Ltmp2:
0xba: {  	_ = 	snop;
	(pc) =	sbr.rel @p0 .LBB2_1-.Ltmp2, $3  }
0xbb: {  	_ =	sdelay $0x1  }
0xbc: {  	[sflag:s28] =	ssyncset.done $0x0  }
0xbd: {  	[sflag:s28] =	ssyncadd.s32 $0xFFFFFCF0  }
0xbe: {  	_ =	sfence.sel $0x180000  }
0xbf: {  	[bflag:$0x0] =	sbarrier.arrive $0xFFFF  }
0xc0: {  	_ =	strace $0x9000004A  }
0xc1: {  	s0 =	stileid.u32;
	[bflag:$0x2] =	sbarrier.arrive $0xFFFF  }
0xc2: {  	p0 =	sne.s32 s0, $0x0;
	s0 =	rddreg [dreg:$0x5]  }
0xc3: {  	s0 =	sadd.s32 @!p0 $0x100000, s0  }
0xc4: {  	[sflag:s0] =	ssyncadd.tile.s32 @!p0 $0x1;
	_ =	shalt  }
.Lfunc_end2:
_tile_overlayer_lowered:
.L_overlay_start_2:
0xc5: {  	(tag) =	ssettag $0x2  }
0xc6: {  	s0 =	rddreg [dreg:$0x0];
	s2 =	stileid.u32  }
0xc7: {  	s1 =	rddreg [dreg:$0x1];
	p0 =	sne.s32 s2, $0x0  }
0xc8: {  	s3 =	rddreg [dreg:$0x2];
	[bflag:$0x3] =	sbarrier.arrive $0xFFFF;
	s2 =	simm.s32 @!p0 $0x1C04  }
0xc9: {  	[timem:s3], [sflag:s2] =	dma.local @!p0 [hbm:s0], s1  }
0xca: {  	s0 =	simm.s32 @!p0 $0x4  }
0xcb: {  	_ =	swait.ge @!p0 [sflag:s0], s1  }
0xcc: {  	s1 =	ssub.s32 @!p0 $0x0, s1;
	[sflag:s0] =	ssyncset.done @!p0 $0x0  }
0xcd: {  	[sflag:s0] =	ssyncadd.s32 @!p0 s1  }
0xce: {  	[bflag:$0x3] =	sbarrier.arrive $0xFFFF  }
0xcf: {  	_ =	shalt  }

// kernel: kernel.14.cloned.1.call-start
scs
__scs_entry_jumppad:
0x0: {  	(pc) =	sbr.rel $0x88, $3  }
0x1: {  	(tag) =	ssettag $0x0;
	lr =	simm.s32 $0x1  }
0x2: {  	[smem:$0x3F9B] =	sst lr;
	_ =	strace $0xD0000000  }
0x3: {  	_ = 	snop  }
0x4: {  	_ = 	snop  }
0x5: {  	_ = 	snop  }
0x6: {  	_ = 	snop  }
0x7: {  	_ = 	snop  }
__scs_overlays_trampoline_lowered:
0x8: {  	[smem:$0x3FAA] =	sst s0  }
0x9: {  	[smem:$0x3FAB] =	sst s1  }
0xa: {  	[smem:$0x3FAC] =	sst s2  }
0xb: {  	[smem:$0x3FAD] =	sst s3  }
0xc: {  	[smem:$0x3FAE] =	sst s4  }
0xd: {  	[smem:$0x3FAF] =	sst s5  }
0xe: {  	[smem:$0x3FB0] =	sst s6  }
0xf: {  	[smem:$0x3FB1] =	sst s7  }
0x10: {  	[smem:$0x3FB2] =	sst s8  }
0x11: {  	[smem:$0x3FB3] =	sst s9;
	s0 =	simm.s32 @!p0 $0x0  }
0x12: {  	s1 =	sld [smem:$0x3F99];
	s0 =	simm.s32 @p0 $0x1  }
0x13: {  	[smem:$0x3FB4] =	sst s0;
	s0 =	simm.s32 @!p1 $0x0  }
0x14: {  	s2 =	sld [smem:$0x3F98];
	s0 =	simm.s32 @p1 $0x1  }
0x15: {  	[smem:$0x3FB5] =	sst s0;
	s0 =	simm.s32 @!p2 $0x0  }
0x16: {  	s3 =	sld [smem:$0x3FDB];
	s0 =	simm.s32 @p2 $0x1  }
0x17: {  	s4 =	simm.s32 $0x1BF5;
	[smem:$0x3FB7] =	sst s0  }
0x18: {  	s0 =	sld [smem:$0x3F9A];
	_ =	swait.ge [sflag:s4], $0x0  }
0x19: {  	s7 =	sld [smem:$0x3F9B]  }
0x1a: {  	s8 =	sadd.s32 $0xFFFFE003, lr  }
0x1b: {  	s9 =	sadd.s32 $0xFFFFFEF7, lr;
	s5 =	simm.s32 $0xFFFFFFFF;
	p2 =	slt.u32 s8, $0xFFFFF086  }
0x1c: {  	p1 =	slt.u32 s9, $0xF7A;
	s5 =	simm.s32 @!p2 $0x0  }
0x1d: {  	s5 =	simm.s32 @p1 $0x1;
	p0 =	seq.s32 s7, s2  }
0x1e: {  	s7 =	smul.u32 @!p0 $0xF7A, s2;
	p2 =	seq.s32 @!p0 s5, $0x0  }
0x1f: {  	s9 =	smul.u32 $0xF7A, s1;
	s8 =	simm.s32 @!p0 $0x1BF5;
	p2 =	por !p2, p0  }
0x20: {  	[sflag:s8] =	ssyncset.s32 @!p0 $0xFFFFF086;
	s6 =	sadd.s32 @!p0 s3, s7;
	s7 =	simm.s32 @!p0 $0x108  }
0x21: {  	s3 =	sadd.s32 s3, s9;
	s6 =	sadd.s32 @!p0 $0x88, s6;
	s7 =	simm.s32 @p2 $0x1082  }
0x22: {  	[simem:s7], [sflag:s8] =	dma.local @!p0 [hbm:s6], $0xF7A  }
0x23: {  	s9 =	sor.u32 $0xD0000000, s2;
	s6 =	simm.s32 $0x108;
	_ =	swait.ge @!p0 [sflag:s8], $0x0  }
0x24: {  	s3 =	sadd.s32 $0x88, s3;
	s6 =	simm.s32 @!p1 $0x1082;
	[sflag:s4] =	ssyncset.s32 $0xFFFFF086  }
0x25: {  	[simem:s6], [sflag:s4] =	dma.local [hbm:s3], $0xF7A  }
0x26: {  	[smem:$0x3F9B] =	sst s1;
	(tag) =	ssettag s2;
	_ =	strace s9  }
0x27: {  	s1 =	sld [smem:$0x3FAB]  }
0x28: {  	s2 =	sld [smem:$0x3FAC]  }
0x29: {  	s4 =	sld [smem:$0x3FAE]  }
0x2a: {  	p0 =	seq.s32 s5, $0x0;
	s5 =	sld [smem:$0x3FAF]  }
0x2b: {  	s6 =	sld [smem:$0x3FB0]  }
0x2c: {  	s7 =	sld [smem:$0x3FB1]  }
0x2d: {  	s3 =	simm.s32 $0x108;
	s8 =	sld [smem:$0x3FB2]  }
0x2e: {  	s3 =	simm.s32 @!p0 $0x1082;
	s9 =	sld [smem:$0x3FB3]  }
0x2f: {  	lr =	sadd.s32 s0, s3;
	s0 =	sld [smem:$0x3FAA]  }
0x30: {  	s3 =	sld [smem:$0x3FAD]  }
0x31: {  	[smem:$0x3FB6] =	sst s10  }
0x32: {  	s10 =	sld [smem:$0x3FB4];
	_ =	sdelay $0x3  }
0x33: {  	p0 =	seq.s32 s10, $0x1;
	s10 =	sld [smem:$0x3FB6];
	_ =	sdelay $0x3  }
0x34: {  	[smem:$0x3FB6] =	sst s10  }
0x35: {  	s10 =	sld [smem:$0x3FB5];
	_ =	sdelay $0x3  }
0x36: {  	p1 =	seq.s32 s10, $0x1;
	s10 =	sld [smem:$0x3FB6];
	_ =	sdelay $0x3  }
0x37: {  	[smem:$0x3FB6] =	sst s10  }
0x38: {  	s10 =	sld [smem:$0x3FB7]  }
0x39: {  	_ = 	snop;
	(pc) =	sbr.ind lr, $3  }
0x3a: {  	_ = 	snop  }
0x3b: {  	_ = 	snop  }
0x3c: {  	p2 =	seq.s32 s10, $0x1;
	s10 =	sld [smem:$0x3FB6]  }
0x3d: {  	_ =	shalt  }
0x3e: {  	_ =	shalt  }
0x3f: {  	_ =	shalt  }
0x40: {  	_ =	shalt  }
0x41: {  	_ =	shalt  }
0x42: {  	_ =	shalt  }
0x43: {  	_ =	shalt  }
0x44: {  	_ =	shalt  }
0x45: {  	_ =	shalt  }
0x46: {  	_ =	shalt  }
0x47: {  	_ =	shalt  }
0x48: {  	_ =	shalt  }
0x49: {  	_ =	shalt  }
0x4a: {  	_ =	shalt  }
0x4b: {  	_ =	shalt  }
0x4c: {  	_ =	shalt  }
0x4d: {  	_ =	shalt  }
0x4e: {  	_ =	shalt  }
0x4f: {  	_ =	shalt  }
0x50: {  	_ =	shalt  }
0x51: {  	_ =	shalt  }
0x52: {  	_ =	shalt  }
0x53: {  	_ =	shalt  }
0x54: {  	_ =	shalt  }
0x55: {  	_ =	shalt  }
0x56: {  	_ =	shalt  }
0x57: {  	_ =	shalt  }
0x58: {  	_ =	shalt  }
0x59: {  	_ =	shalt  }
0x5a: {  	_ =	shalt  }
0x5b: {  	_ =	shalt  }
0x5c: {  	_ =	shalt  }
0x5d: {  	_ =	shalt  }
0x5e: {  	_ =	shalt  }
0x5f: {  	_ =	shalt  }
0x60: {  	_ =	shalt  }
0x61: {  	_ =	shalt  }
0x62: {  	_ =	shalt  }
0x63: {  	_ =	shalt  }
0x64: {  	_ =	shalt  }
0x65: {  	_ =	shalt  }
0x66: {  	_ =	shalt  }
0x67: {  	_ =	shalt  }
0x68: {  	_ =	shalt  }
0x69: {  	_ =	shalt  }
0x6a: {  	_ =	shalt  }
0x6b: {  	_ =	shalt  }
0x6c: {  	_ =	shalt  }
0x6d: {  	_ =	shalt  }
0x6e: {  	_ =	shalt  }
0x6f: {  	_ =	shalt  }
0x70: {  	_ =	shalt  }
0x71: {  	_ =	shalt  }
0x72: {  	_ =	shalt  }
0x73: {  	_ =	shalt  }
0x74: {  	_ =	shalt  }
0x75: {  	_ =	shalt  }
0x76: {  	_ =	shalt  }
0x77: {  	_ =	shalt  }
0x78: {  	_ =	shalt  }
0x79: {  	_ =	shalt  }
0x7a: {  	_ =	shalt  }
0x7b: {  	_ =	shalt  }
0x7c: {  	_ =	shalt  }
0x7d: {  	_ =	shalt  }
0x7e: {  	_ =	shalt  }
0x7f: {  	_ =	shalt  }
0x80: {  	_ =	shalt  }
0x81: {  	_ =	shalt  }
0x82: {  	_ =	shalt  }
0x83: {  	_ =	shalt  }
0x84: {  	_ =	shalt  }
0x85: {  	_ =	shalt  }
0x86: {  	_ =	shalt  }
0x87: {  	_ =	shalt  }
.Lfunc_end0:
.L_simem_size_0:
called_computation.2_lowered:
.L_overlay_start_0:
0x88: {  	s2 =	sld [smem:$0x3FD9]  }
0x89: {  	s3 =	sld [smem:$0x3FFE];
	_ =	sdelay $0x1  }
0x8a: {  	s1 =	srdreg.scid  }
0x8b: {  	s0 =	sand.u32 $0x1, s1  }
0x8c: {  	s16 =	sshll.u32 s0, $0xA;
	s2 =	sadd.s32 s3, s2  }
0x8d: {  	s2 =	sadd.s32 s2, s16  }
0x8e: {  	[smem:$0x3FC2] =	sst s2  }
0x8f: {  	_ = 	snop  }
0x90: {  	(tm) =	ssettm $0x1  }
0x91: {  	s17 =	sld [smem:$0x3FFB];
	_ =	sdelay $0x3  }
0x92: {  	_ =	strace s17  }
0x93: {  	s2 =	sld [smem:$0x3FFC];
	_ =	sdelay $0x3  }
0x94: {  	_ =	strace s2  }
0x95: {  	s2 =	sld [smem:$0x3FFD];
	_ =	sdelay $0x3  }
0x96: {  	_ =	strace s2  }
0x97: {  	_ =	strace $0x8FFFFFFF  }
0x98: {  	s18 =	sld [smem:$0x3FDB];
	_ =	sdelay $0x1  }
0x99: {  	s19 =	simm.s32 $_scs_section_size  }
0x9a: {  	s4 =	simm.s32 $_size__tile_overlayer_lowered;
	s5 =	simm.s32 $_tile_overlayer_lowered  }
0x9b: {  	s22 =	simm.s32 $0x1BFF;
	s21 =	sshll.u32 s5, $0x1;
	s2 =	sadd.s32 s19, s18  }
0x9c: {  	s6 =	simm.s32 $0x0;
	s20 =	sshll.u32 s4, $0x1;
	s4 =	sadd.s32 s21, s2  }
0x9d: {  	[timem:s6], [sflag:s22] =	dma.local [hbm:s4], s20  }
0x9e: {  	_ =	swait.ge [sflag:s22], s20  }
0x9f: {  	s3 =	ssub.s32 $0x0, s20;
	[sflag:s22] =	ssyncset.done $0x0  }
0xa0: {  	[sflag:s22] =	ssyncadd.s32 s3;
	_ =	sdelay $0x1  }
0xa1: {  	s23 =	simm.s32 $0x1B8B  }
0xa2: {  	_ =	swait.ge [sflag:s23], $0x1  }
0xa3: {  	[sflag:s23] =	ssyncset.done $0x0  }
0xa4: {  	s25 =	simm.s32 $0x1B8E;
	s24 =	sld [smem:$0x3FFE];
	[sflag:s23] =	ssyncadd.s32 $0xFFFFFFFF  }
0xa5: {  	s26 =	simm.s32 $execute0_lowered;
	[smem:$0x3FD2] =	sst s25  }
0xa6: {  	s4 =	sshll.u32 s26, $0x1;
	_ =	strace $0x8000004C;
	[dreg:$0x1] =	wrdreg $0xFFFFFFFF  }
0xa7: {  	s28 =	simm.s32 $_size_execute0_lowered;
	s2 =	sadd.s32 s2, s4;
	[dreg:$0x0] =	wrdreg $0x0  }
0xa8: {  	s4 =	sshll.u32 s28, $0x1;
	[dreg:$0x2] =	wrdreg s2  }
0xa9: {  	[dreg:$0x3] =	wrdreg s4  }
0xaa: {  	[dreg:$0x4] =	wrdreg $0xC0  }
0xab: {  	_ =	task [dreg:s6], $0x5FFFF  }
0xac: {  	[dreg:$0x1] =	wrdreg $0xFFFFFFFF  }
0xad: {  	[dreg:$0x0] =	wrdreg $0x60  }
0xae: {  	[dreg:$0x2] =	wrdreg s24  }
0xaf: {  	[dreg:$0x3] =	wrdreg $0x0  }
0xb0: {  	[dreg:$0x4] =	wrdreg $0x18800  }
0xb1: {  	[dreg:$0x5] =	wrdreg $0x31000  }
0xb2: {  	[dreg:$0x6] =	wrdreg $0x49800  }
0xb3: {  	[dreg:$0x7] =	wrdreg $0x9  }
0xb4: {  	_ =	task.clear_ibuf [dreg:s6], $0x8FFFF;
	_ =	strace $0x9000004C  }
0xb5: {  	s29 =	simm.s32 $0x9;
	_ =	strace $0x8000004E  }
0xb6: {  	_ =	swait.ge [sflag:s29], $0x1  }
0xb7: {  	[sflag:s29] =	ssyncadd.s32 $0xFFFFFFFF  }
0xb8: {  	_ =	strace $0x9000004E  }
0xb9: {  	_ =	sfence  }
0xba: {  	s30 =	sld [smem:$0x0];
	_ =	sdelay $0x2  }
0xbb: {  	s31 =	sshll.u32 s1, $0xD;
	s1 =	sshrl.u32 s1, $0x2  }
0xbc: {  	s3 =	sand.u32 $0x4000, s31;
	s1 =	sadd.s32 s1, s30  }
0xbd: {  	s0 =	sor.u32 s3, s0;
	s1 =	sshll.u32 s1, $0x11  }
0xbe: {  	s0 =	sor.u32 s1, s0  }
0xbf: {  	s0 =	sadd.s32 $0x8F2B, s0  }
0xc0: {  	[sflag:s0] =	ssyncadd.remote.s32 $0x1  }
0xc1: {  	_ =	sfence.sel $0xFFFF  }
0xc2: {  	[dreg:$0x0] =	wrdreg $0xFFFFFFFF;
	(pc) =	sbr.abs _section_cstart, $3  }
0xc3: {  	[dreg:$0x1] =	wrdreg $0xFFFFFFFF  }
0xc4: {  	_ =	task.clear_ibuf [dreg:s6], $0x2FFFF;
	_ =	strace $0x9FFFFFFF  }
0xc5: {  	(tm) =	ssettm $0x7FFFFFFF  }
tec
execute0_lowered:
.L_overlay_start_1:
0x0: {  	(tag) =	ssettag $0x1  }
0x1: {  	s0 =	rddreg [dreg:$0x0]  }
0x2: {  	s1 =	rddreg [dreg:$0x1]  }
0x3: {  	s3 =	rddreg [dreg:$0x2]  }
0x4: {  	s4 =	rddreg [dreg:$0x3]  }
0x5: {  	s5 =	rddreg [dreg:$0x4];
	s16 =	stileid.u32  }
0x6: {  	s2 =	srdreg.scid;
	s6 =	simm.s32 $0x0;
	s28 =	simm.s32 $0x4  }
0x7: {  	s30 =	simm.s32 $0x6200;
	s9 =	smul.u32 $0x3100, s16;
	s2 =	sand.u32 $0x1, s2  }
0x8: {  	[smem:$0x7FF] =	sst s6;
	s7 =	sadd.s32 $0xC6000, s0;
	s13 =	smul.u32 $0x1880, s16  }
0x9: {  	s8 =	sadd.s32 $0x2A00, s0;
	s29 =	sshll.u32 s16, $0x6;
	s18 =	smul.u32 $0x30D40, s16  }
0xa: {  	s10 =	smul.u32 $0x31000, s2;
	_ =	strace $0x8000004D;
	s23 =	ssub.s32 $0x2, s2  }
0xb: {  	s12 =	sshll.u32 s2, $0x4;
	s2 =	smul.u32 $0x30D400, s2;
	s11 =	sshrl.u32 s9, $0x3  }
0xc: {  	s24 =	sshrl.u32 s23, $0x1;
	s25 =	sor.u32 s16, s12;
	s15 =	sadd.s32 s13, s1  }
0xd: {  	s17 =	sadd.s32 s13, s3;
	s20 =	sadd.s32 s13, s4;
	s21 =	sadd.s32 s13, s5  }
0xe: {  	s9 =	sadd.s32 s9, s10;
	s11 =	sadd.s32 s11, s0;
	s14 =	smul.u32 $0x30D40, s25  }
0xf: {  	s10 =	sor.u32 $0x1C04, s29;
	s2 =	sadd.s32 s18, s2;
	[dreg:$0x8] =	wrdreg s20  }
0x10: {  	s29 =	sshrl.u32 s17, $0x3;
	[dreg:$0x9] =	wrdreg s21;
	s9 =	sshrl.u32 s9, $0x3  }
0x11: {  	s26 =	sadd.s32 $0x189600, s11;
	s11 =	sadd.s32 $0x189610, s11;
	[dreg:$0x13] =	wrdreg s29  }
0x12: {  	s0 =	sadd.s32 s9, s0;
	s9 =	ssub.s32 s23, s24;
	[dreg:$0x6] =	wrdreg s26  }
0x13: {  	[dreg:$0x7] =	wrdreg s11;
	s24 =	sadd.s32 $0xFA0, s2;
	s2 =	sadd.s32 $0x1F40, s2  }
0x14: {  	s19 =	sshrl.u32 s14, $0x3;
	s26 =	sshrl.u32 s15, $0x3;
	[dreg:$0xf] =	wrdreg s2  }
0x15: {  	s31 =	simm.s32 $0x7200;
	s14 =	sadd.s32 s7, s19;
	[dreg:$0x12] =	wrdreg s26  }
0x16: {  	s16 =	simm.s32 $0xC200;
	s22 =	sadd.s32 $0x18F800, s0;
	[dreg:$0xa] =	wrdreg s14  }
0x17: {  	s17 =	simm.s32 $0xD200;
	s23 =	sadd.s32 s8, s19;
	[dreg:$0xb] =	wrdreg s22  }
0x18: {  	s18 =	simm.s32 $0x3;
	s0 =	sadd.s32 $0x18F810, s0;
	[dreg:$0xc] =	wrdreg s23  }
0x19: {  	s11 =	simm.s32 $0x8200;
	s9 =	smax.u32 s9, $0x1;
	[dreg:$0xd] =	wrdreg s0  }
0x1a: {  	s15 =	simm.s32 $0x2;
	s2 =	simm.s32 $0xA200;
	[dreg:$0xe] =	wrdreg s9  }
0x1b: {  	s0 =	sshrl.u32 s24, $0x3;
	s23 =	simm.s32 $0x1;
	s24 =	simm.s32 $0x10  }
0x1c: {  	s9 =	simm.s32 $0xB200;
	s14 =	simm.s32 $0x9200;
	s25 =	sadd.s32 s0, s8  }
0x1d: {  	s22 =	simm.s32 $0x0;
	s0 =	sadd.s32 s0, s7;
	[dreg:$0x10] =	wrdreg s25  }
0x1e: {  	v0 =	vimm.f32 $0.0e+00;
	[dreg:$0x11] =	wrdreg s0;
	s25 =	simm.s32 $0x20;
	s0 =	simm.s32 $0xFA0  }
.LBB2_1:
0x1f: {  	s12 =	simm.s32 $0x40;
	s19 =	simm.s32 $0x0  }
.LBB2_2:
0x20: {  	p0 =	sne.s32 s12, $0x61C0;
	[tilespmem:s19+$0xE200] =	vst v0;
	s19 =	smov.u32 s12;
	s12 =	sadd.s32 $0x40, s12  }
.Ltmp0:
0x21: {  	(pc) =	sbr.rel @p0 .LBB2_2-.Ltmp0, $2  }
0x22: {  	_ =	sdelay $0x2  }
0x23: {  	s19 =	sshra.s32 s19, $0x2  }
0x24: {  	s12 =	rddreg [dreg:$0x6]  }
0x25: {  	[tilespmem:s19+$0xE200] =	vst v0;
	s13 =	rddreg [dreg:$0x12]  }
0x26: {  	[spmem:s13@s24], [sflag:s10] =	dma.strided [hbm:s12@s25], $0x310, s23, $0x10   }
0x27: {  	_ =	swait.ge [sflag:s28], $0x310  }
0x28: {  	[sflag:s28] =	ssyncset.done $0x0;
	s13 =	rddreg [dreg:$0x7]  }
0x29: {  	s19 =	rddreg [dreg:$0x13];
	[sflag:s28] =	ssyncadd.s32 $0xFFFFFCF0  }
0x2a: {  	[spmem:s19@s24], [sflag:s10] =	dma.strided [hbm:s13@s25], $0x310, s23, $0x10   }
0x2b: {  	_ =	swait.ge [sflag:s28], $0x310  }
0x2c: {  	[sflag:s28] =	ssyncset.done $0x0  }
0x2d: {  	s25 =	simm.s32 $0xE200;
	[sflag:s28] =	ssyncadd.s32 $0xFFFFFCF0  }
0x2e: {  	[spmem:s20] =	stream.linear.scatter [tilespmem:s25], [sflag:$0x4], $0x1880, $0x38;
	[tilespmem:$0xFA80] =	vst v63  }
0x2f: {  	_ =	swait.ge [sflag:s28], $0x1880  }
0x30: {  	[sflag:s28] =	ssyncset.done $0x0  }
0x31: {  	[sflag:s28] =	ssyncadd.s32 $0xFFFFE780  }
0x32: {  	[spmem:s21] =	stream.linear.scatter [tilespmem:s25], [sflag:$0x4], $0x1880, $0x38;
	[tilespmem:$0xFA80] =	vst v63  }
0x33: {  	_ =	swait.ge [sflag:s28], $0x1880  }
0x34: {  	[sflag:s28] =	ssyncset.done $0x0  }
0x35: {  	[sflag:s28] =	ssyncadd.s32 $0xFFFFE780  }
0x36: {  	[bflag:$0x0] =	sbarrier.arrive $0xFFFF  }
0x37: {  	s26 =	simm.s32 $0x0;
	s19 =	rddreg [dreg:$0xa]  }
0x38: {  	[tilespmem:s30], [sflag:$0x1] =	stream.linear.gather [hbm4b:s19+s26], $0xFA0, $0x38;
	[tilespmem:$0xFA80] =	vst v63  }
0x39: {  	s20 =	rddreg [dreg:$0xc]  }
0x3a: {  	[tilespmem:s31], [sflag:$0x1] =	stream.linear.gather [hbm4b:s20+s26], $0xFA0, $0x38;
	[tilespmem:$0xFA80] =	vst v63  }
0x3b: {  	_ =	swait.ge [sflag:s23], $0xFA0  }
0x3c: {  	[sflag:s23] =	ssyncset.done $0x0  }
0x3d: {  	[sflag:s23] =	ssyncadd.s32 $0xFFFFF060  }
0x3e: {  	_ =	swait.ge [sflag:s23], $0xFA0  }
0x3f: {  	[sflag:s23] =	ssyncset.done $0x0  }
0x40: {  	p0 =	por $0x1, $0x1;
	[sflag:s23] =	ssyncadd.s32 $0xFFFFF060  }
0x41: {  	[tilespmem:s2], [sflag:$0x2] =	stream.indirect.gather [spmem:s1], $0x1, s30, s0, $0xb8;
	[tilespmem:$0xFA80] =	vst v63  }
0x42: {  	s12 =	simm.s32 @!p0 $0x3  }
0x43: {  	[tilespmem:s9], [sflag:$0x2] =	stream.indirect.gather [spmem:s3], $0x1, s30, s0, $0xb8;
	[tilespmem:$0xFA80] =	vst v63  }
0x44: {  	_ =	swait.ge @!p0 [sflag:s12], $0xFA0  }
0x45: {  	[sflag:s12] =	ssyncset.done @!p0 $0x0  }
0x46: {  	[sflag:s12] =	ssyncadd.s32 @!p0 $0xFFFFF060  }
0x47: {  	_ =	swait.ge @!p0 [sflag:s12], $0xFA0  }
0x48: {  	[sflag:s12] =	ssyncset.done @!p0 $0x0  }
0x49: {  	s21 =	rddreg [dreg:$0x11];
	[sflag:s12] =	ssyncadd.s32 @!p0 $0xFFFFF060  }
0x4a: {  	[tilespmem:s11], [sflag:$0x1] =	stream.linear.gather [hbm4b:s21+s6], $0xFA0, $0x38;
	[tilespmem:$0xFA80] =	vst v63  }
0x4b: {  	s26 =	rddreg [dreg:$0x10]  }
0x4c: {  	[tilespmem:s14], [sflag:$0x1] =	stream.linear.gather [hbm4b:s26+s6], $0xFA0, $0x38;
	[tilespmem:$0xFA80] =	vst v63  }
0x4d: {  	_ =	swait.ge [sflag:s15], $0xFA0  }
0x4e: {  	[sflag:s15] =	ssyncset.done $0x0  }
0x4f: {  	[sflag:s15] =	ssyncadd.s32 $0xFFFFF060  }
0x50: {  	_ =	swait.ge [sflag:s15], $0xFA0  }
0x51: {  	[sflag:s15] =	ssyncset.done $0x0  }
0x52: {  	[sflag:s15] =	ssyncadd.s32 $0xFFFFF060  }
0x53: {  	[spmem:s4] =	stream.indirect.scatter.add.f32 [tilespmem:s2], [sflag:$0x3], $0x1, s31, s0, $0xb8;
	[tilespmem:$0xFA80] =	vst v63  }
0x54: {  	_ = 	snop  }
0x55: {  	[spmem:s5] =	stream.indirect.scatter.add.f32 [tilespmem:s9], [sflag:$0x3], $0x1, s31, s0, $0xb8;
	[tilespmem:$0xFA80] =	vst v63  }
0x56: {  	_ =	swait.ge [sflag:s23], $0xFA0  }
0x57: {  	[sflag:s23] =	ssyncset.done $0x0  }
0x58: {  	[sflag:s23] =	ssyncadd.s32 $0xFFFFF060  }
0x59: {  	_ =	swait.ge [sflag:s23], $0xFA0  }
0x5a: {  	[sflag:s23] =	ssyncset.done $0x0  }
0x5b: {  	[sflag:s23] =	ssyncadd.s32 $0xFFFFF060  }
0x5c: {  	[tilespmem:s16], [sflag:$0x2] =	stream.indirect.gather [spmem:s1], $0x1, s11, s0, $0xb8;
	[tilespmem:$0xFA80] =	vst v63  }
0x5d: {  	_ = 	snop  }
0x5e: {  	[tilespmem:s17], [sflag:$0x2] =	stream.indirect.gather [spmem:s3], $0x1, s11, s0, $0xb8;
	[tilespmem:$0xFA80] =	vst v63  }
0x5f: {  	_ =	swait.ge [sflag:s18], $0xFA0  }
0x60: {  	[sflag:s18] =	ssyncset.done $0x0  }
0x61: {  	[sflag:s18] =	ssyncadd.s32 $0xFFFFF060  }
0x62: {  	_ =	swait.ge [sflag:s18], $0xFA0  }
0x63: {  	p0 =	por $0x0, $0x0;
	s13 =	rddreg [dreg:$0xf]  }
0x64: {  	s19 =	simm.s32 @!p0 $0x6200;
	[sflag:s18] =	ssyncset.done $0x0;
	s12 =	sshrl.u32 @!p0 s13, $0x3  }
0x65: {  	s25 =	simm.s32 @!p0 $0x0;
	[sflag:s18] =	ssyncadd.s32 $0xFFFFF060;
	s20 =	sadd.s32 @!p0 s7, s12  }
0x66: {  	[tilespmem:s19], [sflag:$0x1] =	stream.linear.gather @!p0 [hbm4b:s20+s25], $0xFA0, $0x38;
	[tilespmem:$0xFA80] =	vst v63  }
0x67: {  	s12 =	sadd.s32 @!p0 s8, s12;
	s19 =	simm.s32 @!p0 $0x7200  }
0x68: {  	[tilespmem:s19], [sflag:$0x1] =	stream.linear.gather @!p0 [hbm4b:s12+s25], $0xFA0, $0x38;
	[tilespmem:$0xFA80] =	vst v63  }
0x69: {  	_ =	swait.ge [sflag:s15], $0xFA0  }
0x6a: {  	[sflag:s15] =	ssyncset.done $0x0  }
0x6b: {  	[sflag:s15] =	ssyncadd.s32 $0xFFFFF060  }
0x6c: {  	_ =	swait.ge [sflag:s15], $0xFA0  }
0x6d: {  	s29 =	simm.s32 $0x1;
	s20 =	smov.u32 s26;
	[sflag:s15] =	ssyncset.done $0x0  }
0x6e: {  	s25 =	sadd.s32 $0x3E8, s21;
	s19 =	smov.u32 s13;
	[sflag:s15] =	ssyncadd.s32 $0xFFFFF060  }
0x6f: {  	[spmem:s4] =	stream.indirect.scatter.add.f32 [tilespmem:s16], [sflag:$0x3], $0x1, s14, s0, $0xb8;
	[tilespmem:$0xFA80] =	vst v63  }
.LBB2_4:
0x70: {  	s19 =	sadd.s32 $0x1F40, s19  }
0x71: {  	s20 =	sadd.s32 $0x3E8, s20;
	s12 =	smov.u32 s29;
	s29 =	sadd.s32 $0x1, s29  }
0x72: {  	[spmem:s5] =	stream.indirect.scatter.add.f32 [tilespmem:s17], [sflag:$0x3], $0x1, s14, s0, $0xb8;
	[tilespmem:$0xFA80] =	vst v63  }
0x73: {  	p0 =	sne.s32 s29, $0x19;
	_ =	swait.ge [sflag:s23], $0xFA0  }
0x74: {  	[sflag:s23] =	ssyncset.done $0x0  }
0x75: {  	[sflag:s23] =	ssyncadd.s32 $0xFFFFF060  }
0x76: {  	_ =	swait.ge [sflag:s23], $0xFA0  }
0x77: {  	[sflag:s23] =	ssyncset.done $0x0  }
0x78: {  	[sflag:s23] =	ssyncadd.s32 $0xFFFFF060  }
0x79: {  	[tilespmem:s2], [sflag:$0x2] =	stream.indirect.gather [spmem:s1], $0x1, s30, s0, $0xb8;
	[tilespmem:$0xFA80] =	vst v63  }
0x7a: {  	p1 =	seq.s32 s12, $0x0  }
0x7b: {  	[tilespmem:s9], [sflag:$0x2] =	stream.indirect.gather [spmem:s3], $0x1, s30, s0, $0xb8;
	[tilespmem:$0xFA80] =	vst v63  }
0x7c: {  	s21 =	simm.s32 @!p1 $0x3  }
0x7d: {  	_ =	swait.ge @!p1 [sflag:s21], $0xFA0  }
0x7e: {  	[sflag:s21] =	ssyncset.done @!p1 $0x0  }
0x7f: {  	[sflag:s21] =	ssyncadd.s32 @!p1 $0xFFFFF060  }
0x80: {  	_ =	swait.ge @!p1 [sflag:s21], $0xFA0  }
0x81: {  	[sflag:s21] =	ssyncset.done @!p1 $0x0  }
0x82: {  	[sflag:s21] =	ssyncadd.s32 @!p1 $0xFFFFF060  }
0x83: {  	[tilespmem:s11], [sflag:$0x1] =	stream.linear.gather [hbm4b:s25+s6], $0xFA0, $0x38;
	[tilespmem:$0xFA80] =	vst v63  }
0x84: {  	_ = 	snop  }
0x85: {  	[tilespmem:s14], [sflag:$0x1] =	stream.linear.gather [hbm4b:s20+s6], $0xFA0, $0x38;
	[tilespmem:$0xFA80] =	vst v63  }
0x86: {  	_ =	swait.ge [sflag:s15], $0xFA0  }
0x87: {  	[sflag:s15] =	ssyncset.done $0x0  }
0x88: {  	[sflag:s15] =	ssyncadd.s32 $0xFFFFF060  }
0x89: {  	_ =	swait.ge [sflag:s15], $0xFA0  }
0x8a: {  	[sflag:s15] =	ssyncset.done $0x0  }
0x8b: {  	[sflag:s15] =	ssyncadd.s32 $0xFFFFF060  }
0x8c: {  	[spmem:s4] =	stream.indirect.scatter.add.f32 [tilespmem:s2], [sflag:$0x3], $0x1, s31, s0, $0xb8;
	[tilespmem:$0xFA80] =	vst v63  }
0x8d: {  	_ = 	snop  }
0x8e: {  	[spmem:s5] =	stream.indirect.scatter.add.f32 [tilespmem:s9], [sflag:$0x3], $0x1, s31, s0, $0xb8;
	[tilespmem:$0xFA80] =	vst v63  }
0x8f: {  	_ =	swait.ge [sflag:s23], $0xFA0  }
0x90: {  	[sflag:s23] =	ssyncset.done $0x0  }
0x91: {  	[sflag:s23] =	ssyncadd.s32 $0xFFFFF060  }
0x92: {  	_ =	swait.ge [sflag:s23], $0xFA0  }
0x93: {  	[sflag:s23] =	ssyncset.done $0x0  }
0x94: {  	[sflag:s23] =	ssyncadd.s32 $0xFFFFF060  }
0x95: {  	[tilespmem:s16], [sflag:$0x2] =	stream.indirect.gather [spmem:s1], $0x1, s11, s0, $0xb8;
	[tilespmem:$0xFA80] =	vst v63  }
0x96: {  	_ = 	snop  }
0x97: {  	[tilespmem:s17], [sflag:$0x2] =	stream.indirect.gather [spmem:s3], $0x1, s11, s0, $0xb8;
	[tilespmem:$0xFA80] =	vst v63  }
0x98: {  	_ =	swait.ge [sflag:s18], $0xFA0  }
0x99: {  	[sflag:s18] =	ssyncset.done $0x0  }
0x9a: {  	p1 =	sgt.u32 s12, $0x17;
	[sflag:s18] =	ssyncadd.s32 $0xFFFFF060  }
0x9b: {  	s12 =	sshrl.u32 @!p1 s19, $0x3;
	s21 =	simm.s32 @!p1 $0x6200;
	_ =	swait.ge [sflag:s18], $0xFA0  }
0x9c: {  	s13 =	simm.s32 @!p1 $0x0;
	s24 =	sadd.s32 @!p1 s7, s12;
	[sflag:s18] =	ssyncset.done $0x0  }
0x9d: {  	s26 =	simm.s32 @!p1 $0x7200;
	s12 =	sadd.s32 @!p1 s8, s12;
	[sflag:s18] =	ssyncadd.s32 $0xFFFFF060  }
0x9e: {  	[tilespmem:s21], [sflag:$0x1] =	stream.linear.gather @!p1 [hbm4b:s24+s13], $0xFA0, $0x38;
	[tilespmem:$0xFA80] =	vst v63  }
0x9f: {  	_ = 	snop  }
0xa0: {  	[tilespmem:s26], [sflag:$0x1] =	stream.linear.gather @!p1 [hbm4b:s12+s13], $0xFA0, $0x38;
	[tilespmem:$0xFA80] =	vst v63  }
0xa1: {  	_ =	swait.ge [sflag:s15], $0xFA0  }
0xa2: {  	[sflag:s15] =	ssyncset.done $0x0  }
.Ltmp1:
0xa3: {  	[sflag:s15] =	ssyncadd.s32 $0xFFFFF060;
	(pc) =	sbr.rel @p0 .LBB2_4-.Ltmp1, $4  }
0xa4: {  	_ =	swait.ge [sflag:s15], $0xFA0  }
0xa5: {  	[sflag:s15] =	ssyncset.done $0x0  }
0xa6: {  	s25 =	sadd.s32 $0x3E8, s25;
	[sflag:s15] =	ssyncadd.s32 $0xFFFFF060  }
0xa7: {  	[spmem:s4] =	stream.indirect.scatter.add.f32 [tilespmem:s16], [sflag:$0x3], $0x1, s14, s0, $0xb8;
	[tilespmem:$0xFA80] =	vst v63  }
0xa8: {  	[spmem:s5] =	stream.indirect.scatter.add.f32 [tilespmem:s17], [sflag:$0x3], $0x1, s14, s0, $0xb8;
	[tilespmem:$0xFA80] =	vst v63  }
0xa9: {  	_ =	swait.ge [sflag:s18], $0xFA0  }
0xaa: {  	[sflag:s18] =	ssyncset.done $0x0  }
0xab: {  	[sflag:s18] =	ssyncadd.s32 $0xFFFFF060  }
0xac: {  	_ =	swait.ge [sflag:s18], $0xFA0  }
0xad: {  	[sflag:s18] =	ssyncset.done $0x0  }
0xae: {  	[sflag:s18] =	ssyncadd.s32 $0xFFFFF060  }
0xaf: {  	[bflag:$0x0] =	sbarrier.arrive $0xFFFF  }
0xb0: {  	s24 =	simm.s32 $0x10;
	s20 =	rddreg [dreg:$0x8]  }
0xb1: {  	s25 =	simm.s32 $0x20;
	s13 =	rddreg [dreg:$0xb];
	s12 =	sshrl.u32 s20, $0x3  }
0xb2: {  	[hbm:s13@s25], [sflag:s10] =	dma.strided [spmem:s12@s24], $0x310, s23, $0x10   }
0xb3: {  	_ =	swait.ge [sflag:s28], $0x310  }
0xb4: {  	[sflag:s28] =	ssyncset.done $0x0;
	s21 =	rddreg [dreg:$0x9]  }
0xb5: {  	s26 =	rddreg [dreg:$0xd];
	[sflag:s28] =	ssyncadd.s32 $0xFFFFFCF0;
	s19 =	sshrl.u32 s21, $0x3  }
0xb6: {  	[hbm:s26@s25], [sflag:s10] =	dma.strided [spmem:s19@s24], $0x310, s23, $0x10   }
0xb7: {  	_ =	swait.ge [sflag:s28], $0x310  }
0xb8: {  	s22 =	sadd.s32 $0x1, s22;
	s29 =	rddreg [dreg:$0xe]  }
0xb9: {  	p0 =	sne.s32 s22, s29  }
.Ltmp2:
0xba: {  	_ = 	snop;
	(pc) =	sbr.rel @p0 .LBB2_1-.Ltmp2, $3  }
0xbb: {  	_ =	sdelay $0x1  }
0xbc: {  	[sflag:s28] =	ssyncset.done $0x0  }
0xbd: {  	[sflag:s28] =	ssyncadd.s32 $0xFFFFFCF0  }
0xbe: {  	_ =	sfence.sel $0x180000  }
0xbf: {  	[bflag:$0x0] =	sbarrier.arrive $0xFFFF  }
0xc0: {  	_ =	strace $0x9000004D  }
0xc1: {  	s0 =	stileid.u32;
	[bflag:$0x2] =	sbarrier.arrive $0xFFFF  }
0xc2: {  	p0 =	sne.s32 s0, $0x0;
	s0 =	rddreg [dreg:$0x5]  }
0xc3: {  	s0 =	sadd.s32 @!p0 $0x100000, s0  }
0xc4: {  	[sflag:s0] =	ssyncadd.tile.s32 @!p0 $0x1;
	_ =	shalt  }
.Lfunc_end2:
_tile_overlayer_lowered:
.L_overlay_start_2:
0xc5: {  	(tag) =	ssettag $0x2  }
0xc6: {  	s0 =	rddreg [dreg:$0x0];
	s2 =	stileid.u32  }
0xc7: {  	s1 =	rddreg [dreg:$0x1];
	p0 =	sne.s32 s2, $0x0  }
0xc8: {  	s3 =	rddreg [dreg:$0x2];
	[bflag:$0x3] =	sbarrier.arrive $0xFFFF;
	s2 =	simm.s32 @!p0 $0x1C04  }
0xc9: {  	[timem:s3], [sflag:s2] =	dma.local @!p0 [hbm:s0], s1  }
0xca: {  	s0 =	simm.s32 @!p0 $0x4  }
0xcb: {  	_ =	swait.ge @!p0 [sflag:s0], s1  }
0xcc: {  	s1 =	ssub.s32 @!p0 $0x0, s1;
	[sflag:s0] =	ssyncset.done @!p0 $0x0  }
0xcd: {  	[sflag:s0] =	ssyncadd.s32 @!p0 s1  }
0xce: {  	[bflag:$0x3] =	sbarrier.arrive $0xFFFF  }
0xcf: {  	_ =	shalt  }

// kernel: kernel.8.cloned.1.call-start
scs
__scs_entry_jumppad:
0x0: {  	(pc) =	sbr.rel $0x88, $3  }
0x1: {  	(tag) =	ssettag $0x0;
	lr =	simm.s32 $0x1  }
0x2: {  	[smem:$0x3F9B] =	sst lr;
	_ =	strace $0xD0000000  }
0x3: {  	_ = 	snop  }
0x4: {  	_ = 	snop  }
0x5: {  	_ = 	snop  }
0x6: {  	_ = 	snop  }
0x7: {  	_ = 	snop  }
__scs_overlays_trampoline_lowered:
0x8: {  	[smem:$0x3FAA] =	sst s0  }
0x9: {  	[smem:$0x3FAB] =	sst s1  }
0xa: {  	[smem:$0x3FAC] =	sst s2  }
0xb: {  	[smem:$0x3FAD] =	sst s3  }
0xc: {  	[smem:$0x3FAE] =	sst s4  }
0xd: {  	[smem:$0x3FAF] =	sst s5  }
0xe: {  	[smem:$0x3FB0] =	sst s6  }
0xf: {  	[smem:$0x3FB1] =	sst s7  }
0x10: {  	[smem:$0x3FB2] =	sst s8  }
0x11: {  	[smem:$0x3FB3] =	sst s9;
	s0 =	simm.s32 @!p0 $0x0  }
0x12: {  	s1 =	sld [smem:$0x3F99];
	s0 =	simm.s32 @p0 $0x1  }
0x13: {  	[smem:$0x3FB4] =	sst s0;
	s0 =	simm.s32 @!p1 $0x0  }
0x14: {  	s2 =	sld [smem:$0x3F98];
	s0 =	simm.s32 @p1 $0x1  }
0x15: {  	[smem:$0x3FB5] =	sst s0;
	s0 =	simm.s32 @!p2 $0x0  }
0x16: {  	s3 =	sld [smem:$0x3FDB];
	s0 =	simm.s32 @p2 $0x1  }
0x17: {  	s4 =	simm.s32 $0x1BF5;
	[smem:$0x3FB7] =	sst s0  }
0x18: {  	s0 =	sld [smem:$0x3F9A];
	_ =	swait.ge [sflag:s4], $0x0  }
0x19: {  	s7 =	sld [smem:$0x3F9B]  }
0x1a: {  	s8 =	sadd.s32 $0xFFFFE003, lr  }
0x1b: {  	s9 =	sadd.s32 $0xFFFFFEF7, lr;
	s5 =	simm.s32 $0xFFFFFFFF;
	p2 =	slt.u32 s8, $0xFFFFF086  }
0x1c: {  	p1 =	slt.u32 s9, $0xF7A;
	s5 =	simm.s32 @!p2 $0x0  }
0x1d: {  	s5 =	simm.s32 @p1 $0x1;
	p0 =	seq.s32 s7, s2  }
0x1e: {  	s7 =	smul.u32 @!p0 $0xF7A, s2;
	p2 =	seq.s32 @!p0 s5, $0x0  }
0x1f: {  	s9 =	smul.u32 $0xF7A, s1;
	s8 =	simm.s32 @!p0 $0x1BF5;
	p2 =	por !p2, p0  }
0x20: {  	[sflag:s8] =	ssyncset.s32 @!p0 $0xFFFFF086;
	s6 =	sadd.s32 @!p0 s3, s7;
	s7 =	simm.s32 @!p0 $0x108  }
0x21: {  	s3 =	sadd.s32 s3, s9;
	s6 =	sadd.s32 @!p0 $0x88, s6;
	s7 =	simm.s32 @p2 $0x1082  }
0x22: {  	[simem:s7], [sflag:s8] =	dma.local @!p0 [hbm:s6], $0xF7A  }
0x23: {  	s9 =	sor.u32 $0xD0000000, s2;
	s6 =	simm.s32 $0x108;
	_ =	swait.ge @!p0 [sflag:s8], $0x0  }
0x24: {  	s3 =	sadd.s32 $0x88, s3;
	s6 =	simm.s32 @!p1 $0x1082;
	[sflag:s4] =	ssyncset.s32 $0xFFFFF086  }
0x25: {  	[simem:s6], [sflag:s4] =	dma.local [hbm:s3], $0xF7A  }
0x26: {  	[smem:$0x3F9B] =	sst s1;
	(tag) =	ssettag s2;
	_ =	strace s9  }
0x27: {  	s1 =	sld [smem:$0x3FAB]  }
0x28: {  	s2 =	sld [smem:$0x3FAC]  }
0x29: {  	s4 =	sld [smem:$0x3FAE]  }
0x2a: {  	p0 =	seq.s32 s5, $0x0;
	s5 =	sld [smem:$0x3FAF]  }
0x2b: {  	s6 =	sld [smem:$0x3FB0]  }
0x2c: {  	s7 =	sld [smem:$0x3FB1]  }
0x2d: {  	s3 =	simm.s32 $0x108;
	s8 =	sld [smem:$0x3FB2]  }
0x2e: {  	s3 =	simm.s32 @!p0 $0x1082;
	s9 =	sld [smem:$0x3FB3]  }
0x2f: {  	lr =	sadd.s32 s0, s3;
	s0 =	sld [smem:$0x3FAA]  }
0x30: {  	s3 =	sld [smem:$0x3FAD]  }
0x31: {  	[smem:$0x3FB6] =	sst s10  }
0x32: {  	s10 =	sld [smem:$0x3FB4];
	_ =	sdelay $0x3  }
0x33: {  	p0 =	seq.s32 s10, $0x1;
	s10 =	sld [smem:$0x3FB6];
	_ =	sdelay $0x3  }
0x34: {  	[smem:$0x3FB6] =	sst s10  }
0x35: {  	s10 =	sld [smem:$0x3FB5];
	_ =	sdelay $0x3  }
0x36: {  	p1 =	seq.s32 s10, $0x1;
	s10 =	sld [smem:$0x3FB6];
	_ =	sdelay $0x3  }
0x37: {  	[smem:$0x3FB6] =	sst s10  }
0x38: {  	s10 =	sld [smem:$0x3FB7]  }
0x39: {  	_ = 	snop;
	(pc) =	sbr.ind lr, $3  }
0x3a: {  	_ = 	snop  }
0x3b: {  	_ = 	snop  }
0x3c: {  	p2 =	seq.s32 s10, $0x1;
	s10 =	sld [smem:$0x3FB6]  }
0x3d: {  	_ =	shalt  }
0x3e: {  	_ =	shalt  }
0x3f: {  	_ =	shalt  }
0x40: {  	_ =	shalt  }
0x41: {  	_ =	shalt  }
0x42: {  	_ =	shalt  }
0x43: {  	_ =	shalt  }
0x44: {  	_ =	shalt  }
0x45: {  	_ =	shalt  }
0x46: {  	_ =	shalt  }
0x47: {  	_ =	shalt  }
0x48: {  	_ =	shalt  }
0x49: {  	_ =	shalt  }
0x4a: {  	_ =	shalt  }
0x4b: {  	_ =	shalt  }
0x4c: {  	_ =	shalt  }
0x4d: {  	_ =	shalt  }
0x4e: {  	_ =	shalt  }
0x4f: {  	_ =	shalt  }
0x50: {  	_ =	shalt  }
0x51: {  	_ =	shalt  }
0x52: {  	_ =	shalt  }
0x53: {  	_ =	shalt  }
0x54: {  	_ =	shalt  }
0x55: {  	_ =	shalt  }
0x56: {  	_ =	shalt  }
0x57: {  	_ =	shalt  }
0x58: {  	_ =	shalt  }
0x59: {  	_ =	shalt  }
0x5a: {  	_ =	shalt  }
0x5b: {  	_ =	shalt  }
0x5c: {  	_ =	shalt  }
0x5d: {  	_ =	shalt  }
0x5e: {  	_ =	shalt  }
0x5f: {  	_ =	shalt  }
0x60: {  	_ =	shalt  }
0x61: {  	_ =	shalt  }
0x62: {  	_ =	shalt  }
0x63: {  	_ =	shalt  }
0x64: {  	_ =	shalt  }
0x65: {  	_ =	shalt  }
0x66: {  	_ =	shalt  }
0x67: {  	_ =	shalt  }
0x68: {  	_ =	shalt  }
0x69: {  	_ =	shalt  }
0x6a: {  	_ =	shalt  }
0x6b: {  	_ =	shalt  }
0x6c: {  	_ =	shalt  }
0x6d: {  	_ =	shalt  }
0x6e: {  	_ =	shalt  }
0x6f: {  	_ =	shalt  }
0x70: {  	_ =	shalt  }
0x71: {  	_ =	shalt  }
0x72: {  	_ =	shalt  }
0x73: {  	_ =	shalt  }
0x74: {  	_ =	shalt  }
0x75: {  	_ =	shalt  }
0x76: {  	_ =	shalt  }
0x77: {  	_ =	shalt  }
0x78: {  	_ =	shalt  }
0x79: {  	_ =	shalt  }
0x7a: {  	_ =	shalt  }
0x7b: {  	_ =	shalt  }
0x7c: {  	_ =	shalt  }
0x7d: {  	_ =	shalt  }
0x7e: {  	_ =	shalt  }
0x7f: {  	_ =	shalt  }
0x80: {  	_ =	shalt  }
0x81: {  	_ =	shalt  }
0x82: {  	_ =	shalt  }
0x83: {  	_ =	shalt  }
0x84: {  	_ =	shalt  }
0x85: {  	_ =	shalt  }
0x86: {  	_ =	shalt  }
0x87: {  	_ =	shalt  }
.Lfunc_end0:
.L_simem_size_0:
called_computation_lowered:
.L_overlay_start_0:
0x88: {  	s2 =	sld [smem:$0x3FD9]  }
0x89: {  	s3 =	sld [smem:$0x3FFE];
	_ =	sdelay $0x1  }
0x8a: {  	s1 =	srdreg.scid  }
0x8b: {  	s0 =	sand.u32 $0x1, s1  }
0x8c: {  	s16 =	sshll.u32 s0, $0xA;
	s2 =	sadd.s32 s3, s2  }
0x8d: {  	s2 =	sadd.s32 s2, s16  }
0x8e: {  	[smem:$0x3FC2] =	sst s2  }
0x8f: {  	_ = 	snop  }
0x90: {  	(tm) =	ssettm $0x1  }
0x91: {  	s17 =	sld [smem:$0x3FFB];
	_ =	sdelay $0x3  }
0x92: {  	_ =	strace s17  }
0x93: {  	s2 =	sld [smem:$0x3FFC];
	_ =	sdelay $0x3  }
0x94: {  	_ =	strace s2  }
0x95: {  	s2 =	sld [smem:$0x3FFD];
	_ =	sdelay $0x3  }
0x96: {  	_ =	strace s2  }
0x97: {  	_ =	strace $0x8FFFFFFF  }
0x98: {  	s18 =	sld [smem:$0x3FDB];
	_ =	sdelay $0x1  }
0x99: {  	s19 =	simm.s32 $_scs_section_size  }
0x9a: {  	s4 =	simm.s32 $_size__tile_overlayer_lowered;
	s5 =	simm.s32 $_tile_overlayer_lowered  }
0x9b: {  	s22 =	simm.s32 $0x1BFF;
	s21 =	sshll.u32 s5, $0x1;
	s2 =	sadd.s32 s19, s18  }
0x9c: {  	s6 =	simm.s32 $0x0;
	s20 =	sshll.u32 s4, $0x1;
	s4 =	sadd.s32 s21, s2  }
0x9d: {  	[timem:s6], [sflag:s22] =	dma.local [hbm:s4], s20  }
0x9e: {  	_ =	swait.ge [sflag:s22], s20  }
0x9f: {  	s3 =	ssub.s32 $0x0, s20;
	[sflag:s22] =	ssyncset.done $0x0  }
0xa0: {  	[sflag:s22] =	ssyncadd.s32 s3;
	_ =	sdelay $0x1  }
0xa1: {  	s23 =	simm.s32 $0x1B8B  }
0xa2: {  	_ =	swait.ge [sflag:s23], $0x1  }
0xa3: {  	[sflag:s23] =	ssyncset.done $0x0  }
0xa4: {  	s25 =	simm.s32 $0x1B8E;
	s24 =	sld [smem:$0x3FFE];
	[sflag:s23] =	ssyncadd.s32 $0xFFFFFFFF  }
0xa5: {  	s26 =	simm.s32 $execute0_lowered;
	[smem:$0x3FD2] =	sst s25  }
0xa6: {  	s4 =	sshll.u32 s26, $0x1;
	_ =	strace $0x80000046;
	[dreg:$0x1] =	wrdreg $0xFFFFFFFF  }
0xa7: {  	s28 =	simm.s32 $_size_execute0_lowered;
	s2 =	sadd.s32 s2, s4;
	[dreg:$0x0] =	wrdreg $0x0  }
0xa8: {  	s4 =	sshll.u32 s28, $0x1;
	[dreg:$0x2] =	wrdreg s2  }
0xa9: {  	[dreg:$0x3] =	wrdreg s4  }
0xaa: {  	[dreg:$0x4] =	wrdreg $0xC0  }
0xab: {  	_ =	task [dreg:s6], $0x5FFFF  }
0xac: {  	[dreg:$0x1] =	wrdreg $0xFFFFFFFF  }
0xad: {  	[dreg:$0x0] =	wrdreg $0x60  }
0xae: {  	[dreg:$0x2] =	wrdreg s24  }
0xaf: {  	[dreg:$0x3] =	wrdreg $0x0  }
0xb0: {  	[dreg:$0x4] =	wrdreg $0x18800  }
0xb1: {  	[dreg:$0x5] =	wrdreg $0x9  }
0xb2: {  	_ =	task.clear_ibuf [dreg:s6], $0x6FFFF;
	_ =	strace $0x90000046  }
0xb3: {  	s29 =	simm.s32 $0x9;
	_ =	strace $0x80000048  }
0xb4: {  	_ =	swait.ge [sflag:s29], $0x1  }
0xb5: {  	[sflag:s29] =	ssyncadd.s32 $0xFFFFFFFF  }
0xb6: {  	_ =	strace $0x90000048  }
0xb7: {  	_ =	sfence  }
0xb8: {  	s30 =	sld [smem:$0x0];
	_ =	sdelay $0x2  }
0xb9: {  	s31 =	sshll.u32 s1, $0xD;
	s1 =	sshrl.u32 s1, $0x2  }
0xba: {  	s3 =	sand.u32 $0x4000, s31;
	s1 =	sadd.s32 s1, s30  }
0xbb: {  	s0 =	sor.u32 s3, s0;
	s1 =	sshll.u32 s1, $0x11  }
0xbc: {  	s0 =	sor.u32 s1, s0  }
0xbd: {  	s0 =	sadd.s32 $0x8F2B, s0  }
0xbe: {  	[sflag:s0] =	ssyncadd.remote.s32 $0x1  }
0xbf: {  	_ =	sfence.sel $0xFFFF  }
0xc0: {  	[dreg:$0x0] =	wrdreg $0xFFFFFFFF;
	(pc) =	sbr.abs _section_cstart, $3  }
0xc1: {  	[dreg:$0x1] =	wrdreg $0xFFFFFFFF  }
0xc2: {  	_ =	task.clear_ibuf [dreg:s6], $0x2FFFF;
	_ =	strace $0x9FFFFFFF  }
0xc3: {  	(tm) =	ssettm $0x7FFFFFFF  }
tec
execute0_lowered:
.L_overlay_start_1:
0x0: {  	(tag) =	ssettag $0x1  }
0x1: {  	s0 =	rddreg [dreg:$0x0]  }
0x2: {  	s1 =	rddreg [dreg:$0x1]  }
0x3: {  	s2 =	rddreg [dreg:$0x2]  }
0x4: {  	s4 =	simm.s32 $0x0;
	s3 =	srdreg.scid;
	s11 =	stileid.u32  }
0x5: {  	s28 =	simm.s32 $0x5100;
	s29 =	simm.s32 $0x6100;
	s30 =	simm.s32 $0xFA0  }
0x6: {  	s31 =	simm.s32 $0x7100;
	[smem:$0x7FF] =	sst s4;
	s5 =	smul.u32 $0x3100, s11  }
0x7: {  	s3 =	sand.u32 $0x1, s3;
	s7 =	sadd.s32 $0xC6000, s0;
	s17 =	smul.u32 $0x1880, s11  }
0x8: {  	s10 =	sadd.s32 $0x2A00, s0;
	s24 =	smul.u32 $0x30D40, s11;
	_ =	strace $0x80000047  }
0x9: {  	s6 =	sshll.u32 s3, $0x7;
	s8 =	sshll.u32 s3, $0x4;
	s9 =	ssub.s32 $0x2, s3  }
0xa: {  	s21 =	smul.u32 $0x30D400, s3;
	s5 =	sor.u32 s6, s5;
	s8 =	sor.u32 s11, s8  }
0xb: {  	s18 =	sshrl.u32 s9, $0x1;
	s5 =	sshrl.u32 s5, $0x3;
	s8 =	smul.u32 $0x30D40, s8  }
0xc: {  	s6 =	sadd.s32 s17, s2;
	s9 =	ssub.s32 s9, s18;
	s0 =	sadd.s32 s5, s0  }
0xd: {  	s5 =	sadd.s32 s17, s1;
	s22 =	smax.u32 s9, $0x1;
	s8 =	sshrl.u32 s8, $0x3  }
0xe: {  	s19 =	sadd.s32 $0x189600, s0;
	s0 =	sadd.s32 $0x18F800, s0;
	[dreg:$0x8] =	wrdreg s22  }
0xf: {  	s22 =	simm.s32 $0x8100;
	s12 =	sadd.s32 s7, s8;
	[dreg:$0x5] =	wrdreg s19  }
0x10: {  	s20 =	sadd.s32 s10, s8;
	[dreg:$0x7] =	wrdreg s0;
	s23 =	sadd.s32 $0x1F4, s8  }
0x11: {  	s25 =	sadd.s32 $0x3E8, s8;
	s8 =	sadd.s32 $0x5FB4, s8;
	[dreg:$0x4] =	wrdreg s12  }
0x12: {  	s0 =	sadd.s32 s24, s21;
	s24 =	simm.s32 $0x3100;
	[dreg:$0x6] =	wrdreg s20  }
0x13: {  	s12 =	sadd.s32 s7, s23;
	s13 =	sadd.s32 s10, s23;
	s14 =	sadd.s32 s7, s25  }
0x14: {  	s15 =	sadd.s32 s10, s25;
	s16 =	sadd.s32 s7, s8;
	s26 =	sadd.s32 $0x3E80, s0  }
0x15: {  	s17 =	sadd.s32 s10, s8;
	s0 =	sadd.s32 $0x2EE0, s0;
	s23 =	simm.s32 $0x3  }
0x16: {  	s25 =	simm.s32 $0x4100;
	s8 =	simm.s32 $0x0;
	s3 =	sshrl.u32 s26, $0x3  }
0x17: {  	s0 =	sshrl.u32 s0, $0x3;
	s26 =	simm.s32 $0x1;
	s18 =	sadd.s32 s3, s10  }
0x18: {  	s19 =	sadd.s32 s3, s7;
	s20 =	sadd.s32 s0, s10;
	s21 =	sadd.s32 s0, s7  }
0x19: {  	v0 =	vimm.f32 $0.0e+00;
	v1 =	vimm.f32 $1.000000000e+00;
	s0 =	simm.s32 $0x2;
	s3 =	simm.s32 $0x20;
	s7 =	simm.s32 $0x10  }
.LBB2_1:
0x1a: {  	s9 =	simm.s32 $0x0  }
.LBB2_2:
0x1b: {  	p0 =	sne.s32 s9, $0x61C0  }
.Ltmp0:
0x1c: {  	_ = 	snop;
	(pc) =	sbr.rel @p0 .LBB2_2-.Ltmp0, $3  }
0x1d: {  	_ =	sdelay $0x1  }
0x1e: {  	s10 =	sshra.s32 s9, $0x2  }
0x1f: {  	s9 =	sadd.s32 $0x40, s9;
	[tilespmem:s10+$0x8100] =	vst v0  }
0x20: {  	s9 =	simm.s32 $0x40;
	s10 =	simm.s32 $0x0  }
.LBB2_4:
0x21: {  	p0 =	sne.s32 s9, $0x3E40;
	[tilespmem:s10+$0x7100] =	vst v1;
	s10 =	smov.u32 s9;
	s9 =	sadd.s32 $0x40, s9  }
.Ltmp1:
0x22: {  	(pc) =	sbr.rel @p0 .LBB2_4-.Ltmp1, $2  }
0x23: {  	_ =	sdelay $0x2  }
0x24: {  	s10 =	sshra.s32 s10, $0x2  }
0x25: {  	[tilespmem:s10+$0x7100] =	vst v1  }
0x26: {  	[spmem:s5] =	stream.linear.scatter [tilespmem:s22], [sflag:$0x3], $0x1880, $0x38;
	[tilespmem:$0x9980] =	vst v63  }
0x27: {  	_ =	swait.ge [sflag:s23], $0x1880  }
0x28: {  	[sflag:s23] =	ssyncset.done $0x0  }
0x29: {  	[sflag:s23] =	ssyncadd.s32 $0xFFFFE780  }
0x2a: {  	[spmem:s6] =	stream.linear.scatter [tilespmem:s22], [sflag:$0x3], $0x1880, $0x38;
	[tilespmem:$0x9980] =	vst v63  }
0x2b: {  	_ =	swait.ge [sflag:s23], $0x1880  }
0x2c: {  	[sflag:s23] =	ssyncset.done $0x0  }
0x2d: {  	[sflag:s23] =	ssyncadd.s32 $0xFFFFE780  }
0x2e: {  	[bflag:$0x0] =	sbarrier.arrive $0xFFFF  }
0x2f: {  	s9 =	simm.s32 $0x0;
	s11 =	rddreg [dreg:$0x4]  }
0x30: {  	[tilespmem:s24], [sflag:$0x1] =	stream.linear.gather [hbm4b:s11+s9], $0xFA0, $0x38;
	[tilespmem:$0x9980] =	vst v63  }
0x31: {  	s11 =	rddreg [dreg:$0x6]  }
0x32: {  	[tilespmem:s25], [sflag:$0x1] =	stream.linear.gather [hbm4b:s11+s9], $0xFA0, $0x38;
	[tilespmem:$0x9980] =	vst v63  }
0x33: {  	_ =	swait.ge [sflag:s26], $0xFA0  }
0x34: {  	[sflag:s26] =	ssyncset.done $0x0  }
0x35: {  	[sflag:s26] =	ssyncadd.s32 $0xFFFFF060  }
0x36: {  	_ =	swait.ge [sflag:s26], $0xFA0  }
0x37: {  	[sflag:s26] =	ssyncset.done $0x0  }
0x38: {  	[sflag:s26] =	ssyncadd.s32 $0xFFFFF060  }
0x39: {  	[tilespmem:s28], [sflag:$0x1] =	stream.linear.gather [hbm4b:s12+s9], $0xFA0, $0x38;
	[tilespmem:$0x9980] =	vst v63  }
0x3a: {  	_ = 	snop  }
0x3b: {  	[tilespmem:s29], [sflag:$0x1] =	stream.linear.gather [hbm4b:s13+s9], $0xFA0, $0x38;
	[tilespmem:$0x9980] =	vst v63  }
0x3c: {  	_ = 	snop  }
0x3d: {  	[spmem:s1] =	stream.indirect.scatter.add.f32 [tilespmem:s31], [sflag:$0x2], $0x1, s24, s30, $0xb8;
	[tilespmem:$0x9980] =	vst v63  }
0x3e: {  	_ = 	snop  }
0x3f: {  	[spmem:s2] =	stream.indirect.scatter.add.f32 [tilespmem:s31], [sflag:$0x2], $0x1, s25, s30, $0xb8;
	[tilespmem:$0x9980] =	vst v63  }
0x40: {  	_ =	swait.ge [sflag:s26], $0xFA0  }
0x41: {  	[sflag:s26] =	ssyncset.done $0x0  }
0x42: {  	[sflag:s26] =	ssyncadd.s32 $0xFFFFF060  }
0x43: {  	_ =	swait.ge [sflag:s26], $0xFA0  }
0x44: {  	[sflag:s26] =	ssyncset.done $0x0  }
0x45: {  	[sflag:s26] =	ssyncadd.s32 $0xFFFFF060  }
0x46: {  	_ =	swait.ge [sflag:s0], $0xFA0  }
0x47: {  	[sflag:s0] =	ssyncset.done $0x0  }
0x48: {  	[sflag:s0] =	ssyncadd.s32 $0xFFFFF060  }
0x49: {  	_ =	swait.ge [sflag:s0], $0xFA0  }
0x4a: {  	[sflag:s0] =	ssyncset.done $0x0  }
0x4b: {  	[sflag:s0] =	ssyncadd.s32 $0xFFFFF060  }
0x4c: {  	[tilespmem:s24], [sflag:$0x1] =	stream.linear.gather [hbm4b:s14+s9], $0xFA0, $0x38;
	[tilespmem:$0x9980] =	vst v63  }
0x4d: {  	_ = 	snop  }
0x4e: {  	[tilespmem:s25], [sflag:$0x1] =	stream.linear.gather [hbm4b:s15+s9], $0xFA0, $0x38;
	[tilespmem:$0x9980] =	vst v63  }
0x4f: {  	_ = 	snop  }
0x50: {  	[spmem:s1] =	stream.indirect.scatter.add.f32 [tilespmem:s31], [sflag:$0x2], $0x1, s28, s30, $0xb8;
	[tilespmem:$0x9980] =	vst v63  }
0x51: {  	_ = 	snop  }
0x52: {  	[spmem:s2] =	stream.indirect.scatter.add.f32 [tilespmem:s31], [sflag:$0x2], $0x1, s29, s30, $0xb8;
	[tilespmem:$0x9980] =	vst v63  }
0x53: {  	_ =	swait.ge [sflag:s26], $0xFA0  }
0x54: {  	[sflag:s26] =	ssyncset.done $0x0  }
0x55: {  	[sflag:s26] =	ssyncadd.s32 $0xFFFFF060  }
0x56: {  	_ =	swait.ge [sflag:s26], $0xFA0  }
0x57: {  	[sflag:s26] =	ssyncset.done $0x0  }
0x58: {  	[sflag:s26] =	ssyncadd.s32 $0xFFFFF060  }
0x59: {  	_ =	swait.ge [sflag:s0], $0xFA0  }
0x5a: {  	[sflag:s0] =	ssyncset.done $0x0  }
0x5b: {  	[sflag:s0] =	ssyncadd.s32 $0xFFFFF060  }
0x5c: {  	_ =	swait.ge [sflag:s0], $0xFA0  }
0x5d: {  	[sflag:s0] =	ssyncset.done $0x0  }
0x5e: {  	s10 =	sadd.s32 $0x0, s21;
	[sflag:s0] =	ssyncadd.s32 $0xFFFFF060  }
0x5f: {  	[tilespmem:s28], [sflag:$0x1] =	stream.linear.gather [hbm4b:s10+s4], $0xFA0, $0x38;
	[tilespmem:$0x9980] =	vst v63  }
0x60: {  	s11 =	sadd.s32 $0x0, s20  }
0x61: {  	[tilespmem:s29], [sflag:$0x1] =	stream.linear.gather [hbm4b:s11+s4], $0xFA0, $0x38;
	[tilespmem:$0x9980] =	vst v63  }
0x62: {  	_ = 	snop  }
0x63: {  	[spmem:s1] =	stream.indirect.scatter.add.f32 [tilespmem:s31], [sflag:$0x2], $0x1, s24, s30, $0xb8;
	[tilespmem:$0x9980] =	vst v63  }
0x64: {  	_ = 	snop  }
0x65: {  	[spmem:s2] =	stream.indirect.scatter.add.f32 [tilespmem:s31], [sflag:$0x2], $0x1, s25, s30, $0xb8;
	[tilespmem:$0x9980] =	vst v63  }
0x66: {  	_ =	swait.ge [sflag:s26], $0xFA0  }
0x67: {  	[sflag:s26] =	ssyncset.done $0x0  }
0x68: {  	[sflag:s26] =	ssyncadd.s32 $0xFFFFF060  }
0x69: {  	_ =	swait.ge [sflag:s26], $0xFA0  }
0x6a: {  	[sflag:s26] =	ssyncset.done $0x0  }
0x6b: {  	[sflag:s26] =	ssyncadd.s32 $0xFFFFF060  }
0x6c: {  	_ =	swait.ge [sflag:s0], $0xFA0  }
0x6d: {  	[sflag:s0] =	ssyncset.done $0x0  }
0x6e: {  	[sflag:s0] =	ssyncadd.s32 $0xFFFFF060  }
0x6f: {  	_ =	swait.ge [sflag:s0], $0xFA0  }
0x70: {  	[sflag:s0] =	ssyncset.done $0x0  }
0x71: {  	s10 =	sadd.s32 $0x0, s19;
	[sflag:s0] =	ssyncadd.s32 $0xFFFFF060  }
0x72: {  	[tilespmem:s24], [sflag:$0x1] =	stream.linear.gather [hbm4b:s10+s4], $0xFA0, $0x38;
	[tilespmem:$0x9980] =	vst v63  }
0x73: {  	s11 =	sadd.s32 $0x0, s18  }
0x74: {  	[tilespmem:s25], [sflag:$0x1] =	stream.linear.gather [hbm4b:s11+s4], $0xFA0, $0x38;
	[tilespmem:$0x9980] =	vst v63  }
0x75: {  	s9 =	simm.s32 $0x3E8  }
0x76: {  	[spmem:s1] =	stream.indirect.scatter.add.f32 [tilespmem:s31], [sflag:$0x2], $0x1, s28, s30, $0xb8;
	[tilespmem:$0x9980] =	vst v63  }
.LBB2_6:
0x77: {  	[spmem:s2] =	stream.indirect.scatter.add.f32 [tilespmem:s31], [sflag:$0x2], $0x1, s29, s30, $0xb8;
	[tilespmem:$0x9980] =	vst v63  }
0x78: {  	s10 =	smov.u32 s9  }
0x79: {  	p0 =	sne.s32 s9, $0x55F0;
	s9 =	sadd.s32 $0x3E8, s9;
	_ =	swait.ge [sflag:s26], $0xFA0  }
0x7a: {  	[sflag:s26] =	ssyncset.done $0x0  }
0x7b: {  	[sflag:s26] =	ssyncadd.s32 $0xFFFFF060  }
0x7c: {  	_ =	swait.ge [sflag:s26], $0xFA0  }
0x7d: {  	[sflag:s26] =	ssyncset.done $0x0  }
0x7e: {  	[sflag:s26] =	ssyncadd.s32 $0xFFFFF060  }
0x7f: {  	_ =	swait.ge [sflag:s0], $0xFA0  }
0x80: {  	[sflag:s0] =	ssyncset.done $0x0  }
0x81: {  	[sflag:s0] =	ssyncadd.s32 $0xFFFFF060  }
0x82: {  	_ =	swait.ge [sflag:s0], $0xFA0  }
0x83: {  	[sflag:s0] =	ssyncset.done $0x0  }
0x84: {  	s11 =	sadd.s32 s10, s21;
	[sflag:s0] =	ssyncadd.s32 $0xFFFFF060  }
0x85: {  	[tilespmem:s28], [sflag:$0x1] =	stream.linear.gather [hbm4b:s11+s4], $0xFA0, $0x38;
	[tilespmem:$0x9980] =	vst v63  }
0x86: {  	s11 =	sadd.s32 s10, s20  }
0x87: {  	[tilespmem:s29], [sflag:$0x1] =	stream.linear.gather [hbm4b:s11+s4], $0xFA0, $0x38;
	[tilespmem:$0x9980] =	vst v63  }
0x88: {  	_ = 	snop  }
0x89: {  	[spmem:s1] =	stream.indirect.scatter.add.f32 [tilespmem:s31], [sflag:$0x2], $0x1, s24, s30, $0xb8;
	[tilespmem:$0x9980] =	vst v63  }
0x8a: {  	_ = 	snop  }
0x8b: {  	[spmem:s2] =	stream.indirect.scatter.add.f32 [tilespmem:s31], [sflag:$0x2], $0x1, s25, s30, $0xb8;
	[tilespmem:$0x9980] =	vst v63  }
0x8c: {  	_ =	swait.ge [sflag:s26], $0xFA0  }
0x8d: {  	[sflag:s26] =	ssyncset.done $0x0  }
0x8e: {  	[sflag:s26] =	ssyncadd.s32 $0xFFFFF060  }
0x8f: {  	_ =	swait.ge [sflag:s26], $0xFA0  }
0x90: {  	[sflag:s26] =	ssyncset.done $0x0  }
0x91: {  	[sflag:s26] =	ssyncadd.s32 $0xFFFFF060  }
0x92: {  	_ =	swait.ge [sflag:s0], $0xFA0  }
0x93: {  	[sflag:s0] =	ssyncset.done $0x0  }
0x94: {  	[sflag:s0] =	ssyncadd.s32 $0xFFFFF060  }
0x95: {  	_ =	swait.ge [sflag:s0], $0xFA0  }
0x96: {  	[sflag:s0] =	ssyncset.done $0x0  }
0x97: {  	s11 =	sadd.s32 s10, s19;
	[sflag:s0] =	ssyncadd.s32 $0xFFFFF060  }
0x98: {  	[tilespmem:s24], [sflag:$0x1] =	stream.linear.gather [hbm4b:s11+s4], $0xFA0, $0x38;
	[tilespmem:$0x9980] =	vst v63  }
.Ltmp2:
0x99: {  	_ = 	snop;
	(pc) =	sbr.rel @p0 .LBB2_6-.Ltmp2, $4  }
0x9a: {  	s10 =	sadd.s32 s10, s18  }
0x9b: {  	[tilespmem:s25], [sflag:$0x1] =	stream.linear.gather [hbm4b:s10+s4], $0xFA0, $0x38;
	[tilespmem:$0x9980] =	vst v63  }
0x9c: {  	_ = 	snop  }
0x9d: {  	[spmem:s1] =	stream.indirect.scatter.add.f32 [tilespmem:s31], [sflag:$0x2], $0x1, s28, s30, $0xb8;
	[tilespmem:$0x9980] =	vst v63  }
0x9e: {  	[spmem:s2] =	stream.indirect.scatter.add.f32 [tilespmem:s31], [sflag:$0x2], $0x1, s29, s30, $0xb8;
	[tilespmem:$0x9980] =	vst v63  }
0x9f: {  	_ =	swait.ge [sflag:s26], $0xFA0  }
0xa0: {  	[sflag:s26] =	ssyncset.done $0x0  }
0xa1: {  	[sflag:s26] =	ssyncadd.s32 $0xFFFFF060  }
0xa2: {  	_ =	swait.ge [sflag:s26], $0xFA0  }
0xa3: {  	[sflag:s26] =	ssyncset.done $0x0  }
0xa4: {  	[sflag:s26] =	ssyncadd.s32 $0xFFFFF060  }
0xa5: {  	_ =	swait.ge [sflag:s0], $0xFA0  }
0xa6: {  	[sflag:s0] =	ssyncset.done $0x0  }
0xa7: {  	[sflag:s0] =	ssyncadd.s32 $0xFFFFF060  }
0xa8: {  	_ =	swait.ge [sflag:s0], $0xFA0  }
0xa9: {  	[sflag:s0] =	ssyncset.done $0x0  }
0xaa: {  	[sflag:s0] =	ssyncadd.s32 $0xFFFFF060  }
0xab: {  	[tilespmem:s28], [sflag:$0x1] =	stream.linear.gather [hbm4b:s16+s4], $0xFA0, $0x38;
	[tilespmem:$0x9980] =	vst v63  }
0xac: {  	_ = 	snop  }
0xad: {  	[tilespmem:s29], [sflag:$0x1] =	stream.linear.gather [hbm4b:s17+s4], $0xFA0, $0x38;
	[tilespmem:$0x9980] =	vst v63  }
0xae: {  	_ = 	snop  }
0xaf: {  	[spmem:s1] =	stream.indirect.scatter.add.f32 [tilespmem:s31], [sflag:$0x2], $0x1, s24, s30, $0xb8;
	[tilespmem:$0x9980] =	vst v63  }
0xb0: {  	_ = 	snop  }
0xb1: {  	[spmem:s2] =	stream.indirect.scatter.add.f32 [tilespmem:s31], [sflag:$0x2], $0x1, s25, s30, $0xb8;
	[tilespmem:$0x9980] =	vst v63  }
0xb2: {  	_ =	swait.ge [sflag:s26], $0xFA0  }
0xb3: {  	[sflag:s26] =	ssyncset.done $0x0  }
0xb4: {  	[sflag:s26] =	ssyncadd.s32 $0xFFFFF060  }
0xb5: {  	_ =	swait.ge [sflag:s26], $0xFA0  }
0xb6: {  	[sflag:s26] =	ssyncset.done $0x0  }
0xb7: {  	[sflag:s26] =	ssyncadd.s32 $0xFFFFF060  }
0xb8: {  	_ =	swait.ge [sflag:s0], $0xFA0  }
0xb9: {  	[sflag:s0] =	ssyncset.done $0x0  }
0xba: {  	[sflag:s0] =	ssyncadd.s32 $0xFFFFF060  }
0xbb: {  	_ =	swait.ge [sflag:s0], $0xFA0  }
0xbc: {  	[sflag:s0] =	ssyncset.done $0x0  }
0xbd: {  	[sflag:s0] =	ssyncadd.s32 $0xFFFFF060  }
0xbe: {  	[spmem:s1] =	stream.indirect.scatter.add.f32 [tilespmem:s31], [sflag:$0x2], $0x1, s28, s30, $0xb8;
	[tilespmem:$0x9980] =	vst v63  }
0xbf: {  	_ = 	snop  }
0xc0: {  	[spmem:s2] =	stream.indirect.scatter.add.f32 [tilespmem:s31], [sflag:$0x2], $0x1, s29, s30, $0xb8;
	[tilespmem:$0x9980] =	vst v63  }
0xc1: {  	_ =	swait.ge [sflag:s0], $0xFA0  }
0xc2: {  	[sflag:s0] =	ssyncset.done $0x0  }
0xc3: {  	[sflag:s0] =	ssyncadd.s32 $0xFFFFF060  }
0xc4: {  	_ =	swait.ge [sflag:s0], $0xFA0  }
0xc5: {  	[sflag:s0] =	ssyncset.done $0x0  }
0xc6: {  	s9 =	stileid.u32;
	[sflag:s0] =	ssyncadd.s32 $0xFFFFF060  }
0xc7: {  	s9 =	sshll.u32 s9, $0x6;
	[bflag:$0x0] =	sbarrier.arrive $0xFFFF  }
0xc8: {  	s10 =	sshrl.u32 s5, $0x3;
	s9 =	sor.u32 $0x1C03, s9;
	s11 =	rddreg [dreg:$0x5]  }
0xc9: {  	[hbm:s11@s3], [sflag:s9] =	dma.strided [spmem:s10@s7], $0x310, s26, $0x10   }
0xca: {  	_ =	swait.ge [sflag:s23], $0x310  }
0xcb: {  	[sflag:s23] =	ssyncset.done $0x0  }
0xcc: {  	s10 =	sshrl.u32 s6, $0x3;
	s11 =	rddreg [dreg:$0x7];
	[sflag:s23] =	ssyncadd.s32 $0xFFFFFCF0  }
0xcd: {  	[hbm:s11@s3], [sflag:s9] =	dma.strided [spmem:s10@s7], $0x310, s26, $0x10   }
0xce: {  	_ =	swait.ge [sflag:s23], $0x310  }
0xcf: {  	s8 =	sadd.s32 $0x1, s8;
	s11 =	rddreg [dreg:$0x8]  }
0xd0: {  	p0 =	sne.s32 s8, s11  }
.Ltmp3:
0xd1: {  	_ = 	snop;
	(pc) =	sbr.rel @p0 .LBB2_1-.Ltmp3, $3  }
0xd2: {  	_ =	sdelay $0x1  }
0xd3: {  	[sflag:s23] =	ssyncset.done $0x0  }
0xd4: {  	[sflag:s23] =	ssyncadd.s32 $0xFFFFFCF0  }
0xd5: {  	_ =	sfence.sel $0x180000  }
0xd6: {  	[bflag:$0x0] =	sbarrier.arrive $0xFFFF  }
0xd7: {  	_ =	strace $0x90000047  }
0xd8: {  	s0 =	stileid.u32;
	[bflag:$0x2] =	sbarrier.arrive $0xFFFF  }
0xd9: {  	p0 =	sne.s32 s0, $0x0;
	s0 =	rddreg [dreg:$0x3]  }
0xda: {  	s0 =	sadd.s32 @!p0 $0x100000, s0  }
0xdb: {  	[sflag:s0] =	ssyncadd.tile.s32 @!p0 $0x1;
	_ =	shalt  }
.Lfunc_end2:
_tile_overlayer_lowered:
.L_overlay_start_2:
0xdc: {  	(tag) =	ssettag $0x2  }
0xdd: {  	s0 =	rddreg [dreg:$0x0];
	s2 =	stileid.u32  }
0xde: {  	s1 =	rddreg [dreg:$0x1];
	p0 =	sne.s32 s2, $0x0  }
0xdf: {  	s3 =	rddreg [dreg:$0x2];
	[bflag:$0x3] =	sbarrier.arrive $0xFFFF;
	s2 =	simm.s32 @!p0 $0x1C03  }
0xe0: {  	[timem:s3], [sflag:s2] =	dma.local @!p0 [hbm:s0], s1  }
0xe1: {  	s0 =	simm.s32 @!p0 $0x3  }
0xe2: {  	_ =	swait.ge @!p0 [sflag:s0], s1  }
0xe3: {  	s1 =	ssub.s32 @!p0 $0x0, s1;
	[sflag:s0] =	ssyncset.done @!p0 $0x0  }
0xe4: {  	[sflag:s0] =	ssyncadd.s32 @!p0 s1  }
0xe5: {  	[bflag:$0x3] =	sbarrier.arrive $0xFFFF  }
0xe6: {  	_ =	shalt  }

</sc_bundles>
